<compile_context>
chip_gen: v7x
topology: tpu7x:2x2x1
jax: 0.10.2.dev20260603
libtpu: 0.0.44.dev20260713+nightly
codegen_flags: <defaults>
</compile_context>

<pallas_src>
import functools

import jax
import jax.numpy as jnp
from jax import lax
from jax.experimental import pallas as pl
from jax.experimental.pallas import tpu as pltpu
from jax.experimental.pallas import tpu_sc as plsc

BS = 4
NP = 20000
C = 128
M = 512
NPOS = 128
NTILES_B = 8
PER_TILE = NP // NTILES_B
PT_PAD = 2560
NCHUNK = PT_PAD // 16
ROWS_PER_TILE = M // NTILES_B

_BIG_I = 2 ** 30


def _fps_gather_body(xp_hbm, yp_hbm, zp_hbm, fp_hbm, feat_hbm,
                     outf_hbm, scx_hbm, scy_hbm, scz_hbm,
                     x_v, y_v, z_v, d_v, idx_v, gidx_v,
                     sx_v, sy_v, sz_v, pub_v, all_v, fp_v, rows_v,
                     shared, sem):
    c = lax.axis_index("c")
    s = lax.axis_index("s")
    lane = lax.iota(jnp.int32, 16)
    zero16 = jnp.zeros((16,), jnp.int32)
    lane0 = lane == 0
    bslot = s // NTILES_B
    t = s - bslot * NTILES_B
    b = c * 2 + bslot
    tile_base = t * PER_TILE

    pltpu.sync_copy(xp_hbm.at[b, t], x_v)
    pltpu.sync_copy(yp_hbm.at[b, t], y_v)
    pltpu.sync_copy(zp_hbm.at[b, t], z_v)
    pltpu.sync_copy(fp_hbm.at[b], fp_v)

    def initd(j, carry):
        valid = (j * 16 + lane) < PER_TILE
        d_v[pl.ds(j * 16, 16)] = jnp.where(valid, jnp.float32(1e10),
                                           jnp.float32(-1.0))
        return carry
    lax.fori_loop(0, NCHUNK, initd, 0, unroll=4)

    fpv = fp_v[...]
    lx0 = jnp.max(jnp.where(lane == 0, fpv, jnp.float32(-1.0)))
    ly0 = jnp.max(jnp.where(lane == 1, fpv, jnp.float32(-1.0)))
    lz0 = jnp.max(jnp.where(lane == 2, fpv, jnp.float32(-1.0)))
    plsc.store_scatter(idx_v, [zero16], zero16, mask=lane0)

    @pl.when(t == 0)
    def _():
        plsc.store_scatter(sx_v, [zero16], jnp.broadcast_to(lx0, (16,)),
                           mask=lane0)
        plsc.store_scatter(sy_v, [zero16], jnp.broadcast_to(ly0, (16,)),
                           mask=lane0)
        plsc.store_scatter(sz_v, [zero16], jnp.broadcast_to(lz0, (16,)),
                           mask=lane0)

    def it_body(i, carry):
        lx, ly, lz = carry

        def quad(jj, st):
            st = list(st)
            for k in range(4):
                j = jj * 4 + k
                sl = pl.ds(j * 16, 16)
                dx = x_v[sl] - lx
                dy = y_v[sl] - ly
                dz = z_v[sl] - lz
                d = dx * dx + dy * dy + dz * dz
                dn = jnp.minimum(d_v[sl], d)
                d_v[sl] = dn
                gi = tile_base + j * 16 + lane
                bv, bi = st[2 * k], st[2 * k + 1]
                upd = dn > bv
                st[2 * k + 1] = jnp.where(upd, gi, bi)
                st[2 * k] = jnp.where(upd, dn, bv)
            return tuple(st)

        neg = jnp.full((16,), -3e38, jnp.float32)
        st = plsc.parallel_loop(
            0, NCHUNK // 4, carry=(neg, zero16, neg, zero16,
                                   neg, zero16, neg, zero16),
            unroll=4)(quad)

        def comb(av, ai, bv_, bi_):
            m = jnp.maximum(av, bv_)
            ca = jnp.where(av == m, ai, _BIG_I)
            cb = jnp.where(bv_ == m, bi_, _BIG_I)
            return m, jnp.minimum(ca, cb)

        v01, i01 = comb(st[0], st[1], st[2], st[3])
        v23, i23 = comb(st[4], st[5], st[6], st[7])
        bv, bi = comb(v01, i01, v23, i23)

        mt = jnp.max(bv)
        cand = jnp.where(bv == mt, bi, _BIG_I)
        it = jnp.min(cand)
        loc = it - tile_base
        loc16 = jnp.broadcast_to(loc, (16,))
        wx = plsc.load_gather(x_v, [loc16])
        wy = plsc.load_gather(y_v, [loc16])
        wz = plsc.load_gather(z_v, [loc16])

        it_f = plsc.bitcast(jnp.broadcast_to(it, (16,)), jnp.float32)
        pub = jnp.where(lane == 0, jnp.broadcast_to(mt, (16,)),
                        jnp.float32(0.0))
        pub = jnp.where(lane == 1, it_f, pub)
        pub = jnp.where(lane == 2, wx, pub)
        pub = jnp.where(lane == 3, wy, pub)
        pub = jnp.where(lane == 4, wz, pub)
        pub_v[...] = pub
        p = jnp.bitwise_and(i, 1)
        pltpu.sync_copy(pub_v, shared.at[pl.ds(p * 256 + s * 16, 16)])
        plsc.subcore_barrier()
        pltpu.sync_copy(shared.at[pl.ds(p * 256 + bslot * 128, 128)], all_v)

        row = jnp.bitwise_and(lane, 7) * 16
        vals = plsc.load_gather(all_v, [row])
        gidxs = plsc.bitcast(
            plsc.load_gather(all_v, [row + 1]), jnp.int32)
        mg = jnp.max(vals)
        cand2 = jnp.where(vals == mg, gidxs, _BIG_I)
        g = jnp.min(cand2)
        wmask = cand2 == g
        wxs = plsc.load_gather(all_v, [row + 2])
        wys = plsc.load_gather(all_v, [row + 3])
        wzs = plsc.load_gather(all_v, [row + 4])
        lxn = jnp.max(jnp.where(wmask, wxs, jnp.float32(-1.0)))
        lyn = jnp.max(jnp.where(wmask, wys, jnp.float32(-1.0)))
        lzn = jnp.max(jnp.where(wmask, wzs, jnp.float32(-1.0)))

        ipos = jnp.broadcast_to(i, (16,))
        plsc.store_scatter(idx_v, [ipos], jnp.broadcast_to(g, (16,)),
                           mask=lane0)

        @pl.when(t == 0)
        def _():
            plsc.store_scatter(sx_v, [ipos],
                               jnp.broadcast_to(lxn, (16,)), mask=lane0)
            plsc.store_scatter(sy_v, [ipos],
                               jnp.broadcast_to(lyn, (16,)), mask=lane0)
            plsc.store_scatter(sz_v, [ipos],
                               jnp.broadcast_to(lzn, (16,)), mask=lane0)

        return lxn, lyn, lzn

    lax.fori_loop(1, M, it_body, (lx0, ly0, lz0))

    @pl.when(t == 0)
    def _():
        pltpu.sync_copy(sx_v, scx_hbm.at[b])
        pltpu.sync_copy(sy_v, scy_hbm.at[b])
        pltpu.sync_copy(sz_v, scz_hbm.at[b])

    base = t * ROWS_PER_TILE
    for j in range(ROWS_PER_TILE // 16):
        gidx_v[pl.ds(j * 16, 16)] = idx_v[pl.ds(base + j * 16, 16)] + b * NP
    pltpu.async_copy(feat_hbm.at[gidx_v], rows_v, sem).wait()
    pltpu.sync_copy(rows_v, outf_hbm.at[b, pl.ds(base, ROWS_PER_TILE)])


@functools.partial(jax.jit, static_argnames=())
def _fps_gather(xpad, ypad, zpad, firstpt, features):
    mesh = plsc.VectorSubcoreMesh(core_axis_name="c", subcore_axis_name="s")
    fn = pl.kernel(
        _fps_gather_body,
        out_type=(
            jax.ShapeDtypeStruct((BS, M, C), jnp.float32),
            jax.ShapeDtypeStruct((BS, M), jnp.float32),
            jax.ShapeDtypeStruct((BS, M), jnp.float32),
            jax.ShapeDtypeStruct((BS, M), jnp.float32),
        ),
        mesh=mesh,
        scratch_types=[
            pltpu.VMEM((PT_PAD,), jnp.float32),
            pltpu.VMEM((PT_PAD,), jnp.float32),
            pltpu.VMEM((PT_PAD,), jnp.float32),
            pltpu.VMEM((PT_PAD,), jnp.float32),
            pltpu.VMEM((M,), jnp.int32),
            pltpu.VMEM((ROWS_PER_TILE,), jnp.int32),
            pltpu.VMEM((M,), jnp.float32),
            pltpu.VMEM((M,), jnp.float32),
            pltpu.VMEM((M,), jnp.float32),
            pltpu.VMEM((16,), jnp.float32),
            pltpu.VMEM((128,), jnp.float32),
            pltpu.VMEM((16,), jnp.float32),
            pltpu.VMEM((ROWS_PER_TILE, C), jnp.float32),
            pltpu.VMEM_SHARED((512,), jnp.float32),
            pltpu.SemaphoreType.DMA,
        ],
        compiler_params=pltpu.CompilerParams(
            needs_layout_passes=False, disable_bounds_checks=True),
    )
    return fn(xpad, ypad, zpad, firstpt, features)


def _pos_body(scx_ref, scy_ref, scz_ref, dimt_ref, w_ref, b_ref, out_ref):
    col = lax.broadcasted_iota(jnp.int32, (BS * M, NPOS), 1)
    even = (col % 2) == 0
    dimt = dimt_ref[...]
    embs = []
    for ref in (scx_ref, scy_ref, scz_ref):
        p = ref[...] / dimt
        embs.append(jnp.where(even, jnp.sin(p), jnp.cos(p)))
    e = jnp.concatenate(embs, axis=1)
    out_ref[...] = (
        jnp.dot(e, w_ref[...], preferred_element_type=jnp.float32)
        + b_ref[...]
    )


def _pos_embed(scx, scy, scz, dim_t, W_pos, b_pos):
    return pl.pallas_call(
        _pos_body,
        out_shape=jax.ShapeDtypeStruct((BS * M, NPOS), jnp.float32),
    )(scx, scy, scz, dim_t, W_pos, b_pos)


def kernel(features, batch_idx, coords, W_pos, b_pos):
    del batch_idx
    coords_b = coords.reshape(BS, NP, 3).astype(jnp.float32)
    ct = coords_b.transpose(0, 2, 1).reshape(BS, 3, NTILES_B, PER_TILE)
    ct = jnp.pad(ct, ((0, 0), (0, 0), (0, 0), (0, PT_PAD - PER_TILE)))
    xpad, ypad, zpad = ct[:, 0], ct[:, 1], ct[:, 2]
    firstpt = jnp.pad(coords_b[:, 0, :], ((0, 0), (0, 13)))

    outf, scx, scy, scz = _fps_gather(xpad, ypad, zpad, firstpt, features)

    dim_t = jnp.power(
        jnp.float32(10000.0),
        2.0 * (jnp.arange(NPOS, dtype=jnp.float32) // 2) / NPOS)
    scx2 = scx.reshape(BS * M, 1)
    scy2 = scy.reshape(BS * M, 1)
    scz2 = scz.reshape(BS * M, 1)
    pos = _pos_embed(scx2, scy2, scz2, dim_t.reshape(1, NPOS), W_pos,
                     b_pos.reshape(1, NPOS)).reshape(BS, M, NPOS)

    mask = jnp.zeros((BS, 1, M), dtype=bool)
    return outf, pos, mask

# --- scband reference (transcript-rebuilt; emitter-appended) ---
"""Pipeline reference for scband-voxel-encoder-71219147702719 (READ-ONLY COPY).

The authoritative reference and input builder live on the scoring server;
editing this copy changes nothing except your own understanding.
"""

import jax, jax.numpy as jnp
import numpy as np

BATCH_SIZE = 4
N_PER = 20000
C = 128
SAMPLING_POINTS = 512
NUM_POS_FEATS = 128
GRID = 1408


def setup_inputs(seed: int = 0) -> dict:
    key = jax.random.key(seed)
    k1, k2, k3 = jax.random.split(key, 3)
    features = jax.random.normal(k1, (BATCH_SIZE * N_PER, C), dtype=jnp.float32)
    # sorted batch indices with equal voxel counts per sample (spconv indices[:, 0])
    batch_idx = jnp.repeat(jnp.arange(BATCH_SIZE, dtype=jnp.int32), N_PER)
    coords = jax.random.randint(k2, (BATCH_SIZE * N_PER, 3), 0, GRID, dtype=jnp.int32)
    # learned projection of the sinusoidal 3-axis embedding (3*NUM_POS_FEATS -> NUM_POS_FEATS)
    W_pos = jax.random.normal(k3, (3 * NUM_POS_FEATS, NUM_POS_FEATS), dtype=jnp.float32) * 0.02
    b_pos = jnp.zeros((NUM_POS_FEATS,), dtype=jnp.float32)
    return {"features": features, "batch_idx": batch_idx, "coords": coords,
            "W_pos": W_pos, "b_pos": b_pos}


def _fps(xyz, npoint):
    # Furthest point sampling, start index 0 (matches spconv FPS convention)
    N = xyz.shape[0]
    dists = jnp.full((N,), 1e10, dtype=jnp.float32)
    idxs = jnp.zeros((npoint,), dtype=jnp.int32)

    def body(i, state):
        dists, idxs = state
        last = xyz[idxs[i - 1]]
        d = jnp.sum((xyz - last) ** 2, axis=1)
        dists = jnp.minimum(dists, d)
        idxs = idxs.at[i].set(jnp.argmax(dists).astype(jnp.int32))
        return dists, idxs

    dists, idxs = jax.lax.fori_loop(1, npoint, body, (dists, idxs))
    return idxs


def _sine_embed(x, num_feats, temperature=10000.0):
    dim_t = temperature ** (2.0 * (jnp.arange(num_feats) // 2) / num_feats)
    pos = x[:, None] / dim_t
    sin = jnp.sin(pos[:, 0::2])
    cos = jnp.cos(pos[:, 1::2])
    return jnp.stack([sin, cos], axis=2).reshape(x.shape[0], -1)


def _position(coords_f, W_pos, b_pos):
    embs = [_sine_embed(coords_f[:, d], NUM_POS_FEATS) for d in range(3)]
    pe = jnp.concatenate(embs, axis=-1)
    return pe @ W_pos + b_pos


def reference(features, batch_idx, coords, W_pos, b_pos):
    bs = BATCH_SIZE
    # batch_idx is sorted with equal per-sample counts, so the per-batch boolean
    # selection in the original loop is equivalent to a reshape
    feats_b = features.reshape(bs, N_PER, C)
    coords_b = coords.reshape(bs, N_PER, 3).astype(jnp.float32)

    fps_idx = jax.vmap(lambda xyz: _fps(xyz, SAMPLING_POINTS))(coords_b)  # [bs, m]
    out = jax.vmap(lambda f, i: f[i])(feats_b, fps_idx)                    # [bs, m, C]
    sampled_coords = jax.vmap(lambda cxyz, i: cxyz[i])(coords_b, fps_idx)  # [bs, m, 3]
    pos = jax.vmap(lambda cc: _position(cc, W_pos, b_pos))(sampled_coords) # [bs, m, NUM_POS_FEATS]

    mask = jnp.zeros((bs, 1, SAMPLING_POINTS), dtype=bool)
    return out, pos, mask

if __name__ == "__main__":
    import jax
    _d = setup_inputs()
    print(jax.jit(kernel)(*tuple(_d.values())))

</pallas_src>

<mosaic_0001>
#map = affine_map<(d0, d1) -> (0, 0, 0)>
#map1 = affine_map<(d0, d1) -> (0, 0)>
module attributes {stable_mosaic.version = 14 : i64} {
  func.func @_fps_gather_body(%arg0: i32, %arg1: i32, %arg2: memref<4x8x2560xf32, #tpu.memory_space<hbm>>, %arg3: memref<4x8x2560xf32, #tpu.memory_space<hbm>>, %arg4: memref<4x8x2560xf32, #tpu.memory_space<hbm>>, %arg5: memref<4x16xf32, #tpu.memory_space<hbm>>, %arg6: memref<80000x128xf32, #tpu.memory_space<hbm>>, %arg7: memref<4x512x128xf32, #tpu.memory_space<hbm>>, %arg8: memref<4x512xf32, #tpu.memory_space<hbm>>, %arg9: memref<4x512xf32, #tpu.memory_space<hbm>>, %arg10: memref<4x512xf32, #tpu.memory_space<hbm>>, %arg11: memref<2560xf32, #tpu.memory_space<vmem>>, %arg12: memref<2560xf32, #tpu.memory_space<vmem>>, %arg13: memref<2560xf32, #tpu.memory_space<vmem>>, %arg14: memref<2560xf32, #tpu.memory_space<vmem>>, %arg15: memref<512xi32, #tpu.memory_space<vmem>>, %arg16: memref<64xi32, #tpu.memory_space<vmem>>, %arg17: memref<512xf32, #tpu.memory_space<vmem>>, %arg18: memref<512xf32, #tpu.memory_space<vmem>>, %arg19: memref<512xf32, #tpu.memory_space<vmem>>, %arg20: memref<16xf32, #tpu.memory_space<vmem>>, %arg21: memref<128xf32, #tpu.memory_space<vmem>>, %arg22: memref<16xf32, #tpu.memory_space<vmem>>, %arg23: memref<64x128xf32, #tpu.memory_space<vmem>>, %arg24: memref<512xf32, #tpu.memory_space<vmem_shared>>, %arg25: memref<!tpu.dma_semaphore, #tpu.memory_space<semaphore_mem>>) attributes {dimension_semantics = [#tpu.dimension_semantics<core_parallel>, #tpu.dimension_semantics<subcore_parallel>], iteration_bounds = array<i64: 2, 16>, scalar_prefetch = 0 : i64, scratch_operands = 15 : i64, tpu.core_type = #tpu.core_type<sc_vector_subcore>, window_params = [{transform_indices = #map}, {transform_indices = #map}, {transform_indices = #map}, {transform_indices = #map1}, {transform_indices = #map1}, {transform_indices = #map}, {transform_indices = #map1}, {transform_indices = #map1}, {transform_indices = #map1}]} {
    %iota3A = tpu.iota {dimensions = array<i32: 0>} : vector<16xi32>
    %broadcast_in_dim3A = arith.constant 0 : i32
    %broadcast_in_dim3A_0 = vector.broadcast %broadcast_in_dim3A : i32 to vector<16xi32>
    %eq3A = arith.constant 0 : i32
    %eq3A_1 = vector.broadcast %eq3A : i32 to vector<16xi32>
    %eq3A_2 = arith.cmpi eq, %iota3A, %eq3A_1 : vector<16xi32>
    %jit3A = arith.constant 8 : i32
    %div3A = arith.divsi %arg1, %jit3A : i32
    %sign3A = arith.constant 0 : i32
    %sign3A_3 = arith.cmpi sgt, %arg1, %sign3A : i32
    %sign3A_4 = arith.extui %sign3A_3 : i1 to i32
    %sign3A_5 = arith.constant 0 : i32
    %sign3A_6 = arith.cmpi slt, %arg1, %sign3A_5 : i32
    %sign3A_7 = arith.extui %sign3A_6 : i1 to i32
    %sign3A_8 = arith.subi %sign3A_4, %sign3A_7 : i32
    %sign3A_9 = arith.constant 0 : i32
    %sign3A_10 = arith.cmpi sgt, %jit3A, %sign3A_9 : i32
    %sign3A_11 = arith.extui %sign3A_10 : i1 to i32
    %sign3A_12 = arith.constant 0 : i32
    %sign3A_13 = arith.cmpi slt, %jit3A, %sign3A_12 : i32
    %sign3A_14 = arith.extui %sign3A_13 : i1 to i32
    %sign3A_15 = arith.subi %sign3A_11, %sign3A_14 : i32
    %ne3A = arith.cmpi ne, %sign3A_8, %sign3A_15 : i32
    %rem3A = arith.remsi %arg1, %jit3A : i32
    %ne3A_16 = arith.constant 0 : i32
    %ne3A_17 = arith.cmpi ne, %rem3A, %ne3A_16 : i32
    %and3A = arith.andi %ne3A, %ne3A_17 : i1
    %sub3A = arith.constant 1 : i32
    %sub3A_18 = arith.subi %div3A, %sub3A : i32
    %select_n3A = arith.select %and3A, %sub3A_18, %div3A : i32
    %mul3A = arith.constant 8 : i32
    %mul3A_19 = arith.muli %select_n3A, %mul3A : i32
    %sub3A_20 = arith.subi %arg1, %mul3A_19 : i32
    %mul3A_21 = arith.constant 2 : i32
    %mul3A_22 = arith.muli %arg0, %mul3A_21 : i32
    %add3A = arith.addi %mul3A_22, %select_n3A : i32
    %mul3A_23 = arith.constant 2500 : i32
    %mul3A_24 = arith.muli %sub3A_20, %mul3A_23 : i32
    "tpu.region"() ({
      %run_scoped3A = tpu.sem_alloc : memref<!tpu.dma_semaphore, #tpu.memory_space<semaphore_mem>>
      %dma_start3A_119 = arith.constant 0 : i32
      %dma_start3A_120 = tpu.memref_slice %arg2[%add3A, %sub3A_20, %dma_start3A_119] : memref<4x8x2560xf32, #tpu.memory_space<hbm>> -> memref<1x1x2560xf32, #tpu.memory_space<hbm>>
      %dma_start3A_121 = tpu.memref_squeeze %dma_start3A_120 : memref<1x1x2560xf32, #tpu.memory_space<hbm>> -> memref<2560xf32, #tpu.memory_space<hbm>>
      %dma_start3A_122 = arith.constant 0 : i32
      %dma_start3A_123 = tpu.memref_slice %arg2[%add3A, %sub3A_20, %dma_start3A_122] : memref<4x8x2560xf32, #tpu.memory_space<hbm>> -> memref<1x1x2560xf32, #tpu.memory_space<hbm>>
      %dma_start3A_124 = tpu.memref_squeeze %dma_start3A_123 : memref<1x1x2560xf32, #tpu.memory_space<hbm>> -> memref<2560xf32, #tpu.memory_space<hbm>>
      tpu.enqueue_dma source(%dma_start3A_124 : memref<2560xf32, #tpu.memory_space<hbm>>) target(%arg11 : memref<2560xf32, #tpu.memory_space<vmem>>) target_semaphore(%run_scoped3A : memref<!tpu.dma_semaphore, #tpu.memory_space<semaphore_mem>>)
      %dma_wait3A_125 = arith.constant 0 : i32
      %dma_wait3A_126 = tpu.memref_slice %arg2[%add3A, %sub3A_20, %dma_wait3A_125] : memref<4x8x2560xf32, #tpu.memory_space<hbm>> -> memref<1x1x2560xf32, #tpu.memory_space<hbm>>
      %dma_wait3A_127 = tpu.memref_squeeze %dma_wait3A_126 : memref<1x1x2560xf32, #tpu.memory_space<hbm>> -> memref<2560xf32, #tpu.memory_space<hbm>>
      %dma_wait3A_128 = arith.constant 0 : i32
      %dma_wait3A_129 = tpu.memref_slice %arg2[%add3A, %sub3A_20, %dma_wait3A_128] : memref<4x8x2560xf32, #tpu.memory_space<hbm>> -> memref<1x1x2560xf32, #tpu.memory_space<hbm>>
      %dma_wait3A_130 = tpu.memref_squeeze %dma_wait3A_129 : memref<1x1x2560xf32, #tpu.memory_space<hbm>> -> memref<2560xf32, #tpu.memory_space<hbm>>
      tpu.wait_dma2 semaphore(%run_scoped3A : memref<!tpu.dma_semaphore, #tpu.memory_space<semaphore_mem>>) src(%dma_wait3A_130 : memref<2560xf32, #tpu.memory_space<hbm>>) dst(%arg11 : memref<2560xf32, #tpu.memory_space<vmem>>)
      tpu.yield
    }) : () -> ()
    "tpu.region"() ({
      %run_scoped3A = tpu.sem_alloc : memref<!tpu.dma_semaphore, #tpu.memory_space<semaphore_mem>>
      %dma_start3A_119 = arith.constant 0 : i32
      %dma_start3A_120 = tpu.memref_slice %arg3[%add3A, %sub3A_20, %dma_start3A_119] : memref<4x8x2560xf32, #tpu.memory_space<hbm>> -> memref<1x1x2560xf32, #tpu.memory_space<hbm>>
      %dma_start3A_121 = tpu.memref_squeeze %dma_start3A_120 : memref<1x1x2560xf32, #tpu.memory_space<hbm>> -> memref<2560xf32, #tpu.memory_space<hbm>>
      %dma_start3A_122 = arith.constant 0 : i32
      %dma_start3A_123 = tpu.memref_slice %arg3[%add3A, %sub3A_20, %dma_start3A_122] : memref<4x8x2560xf32, #tpu.memory_space<hbm>> -> memref<1x1x2560xf32, #tpu.memory_space<hbm>>
      %dma_start3A_124 = tpu.memref_squeeze %dma_start3A_123 : memref<1x1x2560xf32, #tpu.memory_space<hbm>> -> memref<2560xf32, #tpu.memory_space<hbm>>
      tpu.enqueue_dma source(%dma_start3A_124 : memref<2560xf32, #tpu.memory_space<hbm>>) target(%arg12 : memref<2560xf32, #tpu.memory_space<vmem>>) target_semaphore(%run_scoped3A : memref<!tpu.dma_semaphore, #tpu.memory_space<semaphore_mem>>)
      %dma_wait3A_125 = arith.constant 0 : i32
      %dma_wait3A_126 = tpu.memref_slice %arg3[%add3A, %sub3A_20, %dma_wait3A_125] : memref<4x8x2560xf32, #tpu.memory_space<hbm>> -> memref<1x1x2560xf32, #tpu.memory_space<hbm>>
      %dma_wait3A_127 = tpu.memref_squeeze %dma_wait3A_126 : memref<1x1x2560xf32, #tpu.memory_space<hbm>> -> memref<2560xf32, #tpu.memory_space<hbm>>
      %dma_wait3A_128 = arith.constant 0 : i32
      %dma_wait3A_129 = tpu.memref_slice %arg3[%add3A, %sub3A_20, %dma_wait3A_128] : memref<4x8x2560xf32, #tpu.memory_space<hbm>> -> memref<1x1x2560xf32, #tpu.memory_space<hbm>>
      %dma_wait3A_130 = tpu.memref_squeeze %dma_wait3A_129 : memref<1x1x2560xf32, #tpu.memory_space<hbm>> -> memref<2560xf32, #tpu.memory_space<hbm>>
      tpu.wait_dma2 semaphore(%run_scoped3A : memref<!tpu.dma_semaphore, #tpu.memory_space<semaphore_mem>>) src(%dma_wait3A_130 : memref<2560xf32, #tpu.memory_space<hbm>>) dst(%arg12 : memref<2560xf32, #tpu.memory_space<vmem>>)
      tpu.yield
    }) : () -> ()
    "tpu.region"() ({
      %run_scoped3A = tpu.sem_alloc : memref<!tpu.dma_semaphore, #tpu.memory_space<semaphore_mem>>
      %dma_start3A_119 = arith.constant 0 : i32
      %dma_start3A_120 = tpu.memref_slice %arg4[%add3A, %sub3A_20, %dma_start3A_119] : memref<4x8x2560xf32, #tpu.memory_space<hbm>> -> memref<1x1x2560xf32, #tpu.memory_space<hbm>>
      %dma_start3A_121 = tpu.memref_squeeze %dma_start3A_120 : memref<1x1x2560xf32, #tpu.memory_space<hbm>> -> memref<2560xf32, #tpu.memory_space<hbm>>
      %dma_start3A_122 = arith.constant 0 : i32
      %dma_start3A_123 = tpu.memref_slice %arg4[%add3A, %sub3A_20, %dma_start3A_122] : memref<4x8x2560xf32, #tpu.memory_space<hbm>> -> memref<1x1x2560xf32, #tpu.memory_space<hbm>>
      %dma_start3A_124 = tpu.memref_squeeze %dma_start3A_123 : memref<1x1x2560xf32, #tpu.memory_space<hbm>> -> memref<2560xf32, #tpu.memory_space<hbm>>
      tpu.enqueue_dma source(%dma_start3A_124 : memref<2560xf32, #tpu.memory_space<hbm>>) target(%arg13 : memref<2560xf32, #tpu.memory_space<vmem>>) target_semaphore(%run_scoped3A : memref<!tpu.dma_semaphore, #tpu.memory_space<semaphore_mem>>)
      %dma_wait3A_125 = arith.constant 0 : i32
      %dma_wait3A_126 = tpu.memref_slice %arg4[%add3A, %sub3A_20, %dma_wait3A_125] : memref<4x8x2560xf32, #tpu.memory_space<hbm>> -> memref<1x1x2560xf32, #tpu.memory_space<hbm>>
      %dma_wait3A_127 = tpu.memref_squeeze %dma_wait3A_126 : memref<1x1x2560xf32, #tpu.memory_space<hbm>> -> memref<2560xf32, #tpu.memory_space<hbm>>
      %dma_wait3A_128 = arith.constant 0 : i32
      %dma_wait3A_129 = tpu.memref_slice %arg4[%add3A, %sub3A_20, %dma_wait3A_128] : memref<4x8x2560xf32, #tpu.memory_space<hbm>> -> memref<1x1x2560xf32, #tpu.memory_space<hbm>>
      %dma_wait3A_130 = tpu.memref_squeeze %dma_wait3A_129 : memref<1x1x2560xf32, #tpu.memory_space<hbm>> -> memref<2560xf32, #tpu.memory_space<hbm>>
      tpu.wait_dma2 semaphore(%run_scoped3A : memref<!tpu.dma_semaphore, #tpu.memory_space<semaphore_mem>>) src(%dma_wait3A_130 : memref<2560xf32, #tpu.memory_space<hbm>>) dst(%arg13 : memref<2560xf32, #tpu.memory_space<vmem>>)
      tpu.yield
    }) : () -> ()
    "tpu.region"() ({
      %run_scoped3A = tpu.sem_alloc : memref<!tpu.dma_semaphore, #tpu.memory_space<semaphore_mem>>
      %dma_start3A_119 = arith.constant 0 : i32
      %dma_start3A_120 = tpu.memref_slice %arg5[%add3A, %dma_start3A_119] : memref<4x16xf32, #tpu.memory_space<hbm>> -> memref<1x16xf32, #tpu.memory_space<hbm>>
      %dma_start3A_121 = tpu.memref_squeeze %dma_start3A_120 : memref<1x16xf32, #tpu.memory_space<hbm>> -> memref<16xf32, #tpu.memory_space<hbm>>
      %dma_start3A_122 = arith.constant 0 : i32
      %dma_start3A_123 = tpu.memref_slice %arg5[%add3A, %dma_start3A_122] : memref<4x16xf32, #tpu.memory_space<hbm>> -> memref<1x16xf32, #tpu.memory_space<hbm>>
      %dma_start3A_124 = tpu.memref_squeeze %dma_start3A_123 : memref<1x16xf32, #tpu.memory_space<hbm>> -> memref<16xf32, #tpu.memory_space<hbm>>
      tpu.enqueue_dma source(%dma_start3A_124 : memref<16xf32, #tpu.memory_space<hbm>>) target(%arg22 : memref<16xf32, #tpu.memory_space<vmem>>) target_semaphore(%run_scoped3A : memref<!tpu.dma_semaphore, #tpu.memory_space<semaphore_mem>>)
      %dma_wait3A_125 = arith.constant 0 : i32
      %dma_wait3A_126 = tpu.memref_slice %arg5[%add3A, %dma_wait3A_125] : memref<4x16xf32, #tpu.memory_space<hbm>> -> memref<1x16xf32, #tpu.memory_space<hbm>>
      %dma_wait3A_127 = tpu.memref_squeeze %dma_wait3A_126 : memref<1x16xf32, #tpu.memory_space<hbm>> -> memref<16xf32, #tpu.memory_space<hbm>>
      %dma_wait3A_128 = arith.constant 0 : i32
      %dma_wait3A_129 = tpu.memref_slice %arg5[%add3A, %dma_wait3A_128] : memref<4x16xf32, #tpu.memory_space<hbm>> -> memref<1x16xf32, #tpu.memory_space<hbm>>
      %dma_wait3A_130 = tpu.memref_squeeze %dma_wait3A_129 : memref<1x16xf32, #tpu.memory_space<hbm>> -> memref<16xf32, #tpu.memory_space<hbm>>
      tpu.wait_dma2 semaphore(%run_scoped3A : memref<!tpu.dma_semaphore, #tpu.memory_space<semaphore_mem>>) src(%dma_wait3A_130 : memref<16xf32, #tpu.memory_space<hbm>>) dst(%arg22 : memref<16xf32, #tpu.memory_space<vmem>>)
      tpu.yield
    }) : () -> ()
    %scan3A = arith.constant 0 : i32
    %scan3A_25 = arith.constant 0 : i32
    %scan3A_26 = arith.constant 160 : i32
    %scan3A_27 = arith.addi %scan3A_25, %scan3A_26 : i32
    %scan3A_28 = arith.constant 4 : i32
    scf.for %scan3A_119 = %scan3A_25 to %scan3A_27 step %scan3A_28  : i32 {
      %mul3A_120 = arith.constant 16 : i32
      %mul3A_121 = arith.muli %scan3A_119, %mul3A_120 : i32
      %add3A_122 = vector.broadcast %mul3A_121 : i32 to vector<16xi32>
      %add3A_123 = arith.addi %add3A_122, %iota3A : vector<16xi32>
      %lt3A = arith.constant 2500 : i32
      %lt3A_124 = vector.broadcast %lt3A : i32 to vector<16xi32>
      %lt3A_125 = arith.cmpi slt, %add3A_123, %lt3A_124 : vector<16xi32>
      %jit3A_126 = arith.constant 1.000000e+10 : f32
      %jit3A_127 = arith.constant -1.000000e+00 : f32
      %broadcast_in_dim3A_128 = vector.broadcast %jit3A_126 : f32 to vector<16xf32>
      %broadcast_in_dim3A_129 = vector.broadcast %jit3A_127 : f32 to vector<16xf32>
      %select_n3A_130 = arith.select %lt3A_125, %broadcast_in_dim3A_128, %broadcast_in_dim3A_129 : vector<16xi1>, vector<16xf32>
      %mul3A_131 = arith.constant 16 : i32
      %mul3A_132 = arith.muli %scan3A_119, %mul3A_131 : i32
      %swap3A_133 = arith.index_cast %mul3A_132 : i32 to index
      %swap3A_134 = tpu.vector_load %arg14[%swap3A_133] {strides = array<i32>} : memref<2560xf32, #tpu.memory_space<vmem>>, vector<16xf32>,
      tpu.vector_store %arg14[%swap3A_133], %select_n3A_130 {strides = array<i32>} : memref<2560xf32, #tpu.memory_space<vmem>>, vector<16xf32>,
      %scan3A_135 = arith.constant 1 : i32
      %scan3A_136 = arith.addi %scan3A_119, %scan3A_135 : i32
      %mul3A_137 = arith.constant 16 : i32
      %mul3A_138 = arith.muli %scan3A_136, %mul3A_137 : i32
      %add3A_139 = vector.broadcast %mul3A_138 : i32 to vector<16xi32>
      %add3A_140 = arith.addi %add3A_139, %iota3A : vector<16xi32>
      %lt3A_141 = arith.constant 2500 : i32
      %lt3A_142 = vector.broadcast %lt3A_141 : i32 to vector<16xi32>
      %lt3A_143 = arith.cmpi slt, %add3A_140, %lt3A_142 : vector<16xi32>
      %jit3A_144 = arith.constant 1.000000e+10 : f32
      %jit3A_145 = arith.constant -1.000000e+00 : f32
      %broadcast_in_dim3A_146 = vector.broadcast %jit3A_144 : f32 to vector<16xf32>
      %broadcast_in_dim3A_147 = vector.broadcast %jit3A_145 : f32 to vector<16xf32>
      %select_n3A_148 = arith.select %lt3A_143, %broadcast_in_dim3A_146, %broadcast_in_dim3A_147 : vector<16xi1>, vector<16xf32>
      %mul3A_149 = arith.constant 16 : i32
      %mul3A_150 = arith.muli %scan3A_136, %mul3A_149 : i32
      %swap3A_151 = arith.index_cast %mul3A_150 : i32 to index
      %swap3A_152 = tpu.vector_load %arg14[%swap3A_151] {strides = array<i32>} : memref<2560xf32, #tpu.memory_space<vmem>>, vector<16xf32>,
      tpu.vector_store %arg14[%swap3A_151], %select_n3A_148 {strides = array<i32>} : memref<2560xf32, #tpu.memory_space<vmem>>, vector<16xf32>,
      %scan3A_153 = arith.constant 2 : i32
      %scan3A_154 = arith.addi %scan3A_119, %scan3A_153 : i32
      %mul3A_155 = arith.constant 16 : i32
      %mul3A_156 = arith.muli %scan3A_154, %mul3A_155 : i32
      %add3A_157 = vector.broadcast %mul3A_156 : i32 to vector<16xi32>
      %add3A_158 = arith.addi %add3A_157, %iota3A : vector<16xi32>
      %lt3A_159 = arith.constant 2500 : i32
      %lt3A_160 = vector.broadcast %lt3A_159 : i32 to vector<16xi32>
      %lt3A_161 = arith.cmpi slt, %add3A_158, %lt3A_160 : vector<16xi32>
      %jit3A_162 = arith.constant 1.000000e+10 : f32
      %jit3A_163 = arith.constant -1.000000e+00 : f32
      %broadcast_in_dim3A_164 = vector.broadcast %jit3A_162 : f32 to vector<16xf32>
      %broadcast_in_dim3A_165 = vector.broadcast %jit3A_163 : f32 to vector<16xf32>
      %select_n3A_166 = arith.select %lt3A_161, %broadcast_in_dim3A_164, %broadcast_in_dim3A_165 : vector<16xi1>, vector<16xf32>
      %mul3A_167 = arith.constant 16 : i32
      %mul3A_168 = arith.muli %scan3A_154, %mul3A_167 : i32
      %swap3A_169 = arith.index_cast %mul3A_168 : i32 to index
      %swap3A_170 = tpu.vector_load %arg14[%swap3A_169] {strides = array<i32>} : memref<2560xf32, #tpu.memory_space<vmem>>, vector<16xf32>,
      tpu.vector_store %arg14[%swap3A_169], %select_n3A_166 {strides = array<i32>} : memref<2560xf32, #tpu.memory_space<vmem>>, vector<16xf32>,
      %scan3A_171 = arith.constant 3 : i32
      %scan3A_172 = arith.addi %scan3A_119, %scan3A_171 : i32
      %mul3A_173 = arith.constant 16 : i32
      %mul3A_174 = arith.muli %scan3A_172, %mul3A_173 : i32
      %add3A_175 = vector.broadcast %mul3A_174 : i32 to vector<16xi32>
      %add3A_176 = arith.addi %add3A_175, %iota3A : vector<16xi32>
      %lt3A_177 = arith.constant 2500 : i32
      %lt3A_178 = vector.broadcast %lt3A_177 : i32 to vector<16xi32>
      %lt3A_179 = arith.cmpi slt, %add3A_176, %lt3A_178 : vector<16xi32>
      %jit3A_180 = arith.constant 1.000000e+10 : f32
      %jit3A_181 = arith.constant -1.000000e+00 : f32
      %broadcast_in_dim3A_182 = vector.broadcast %jit3A_180 : f32 to vector<16xf32>
      %broadcast_in_dim3A_183 = vector.broadcast %jit3A_181 : f32 to vector<16xf32>
      %select_n3A_184 = arith.select %lt3A_179, %broadcast_in_dim3A_182, %broadcast_in_dim3A_183 : vector<16xi1>, vector<16xf32>
      %mul3A_185 = arith.constant 16 : i32
      %mul3A_186 = arith.muli %scan3A_172, %mul3A_185 : i32
      %swap3A_187 = arith.index_cast %mul3A_186 : i32 to index
      %swap3A_188 = tpu.vector_load %arg14[%swap3A_187] {strides = array<i32>} : memref<2560xf32, #tpu.memory_space<vmem>>, vector<16xf32>,
      tpu.vector_store %arg14[%swap3A_187], %select_n3A_184 {strides = array<i32>} : memref<2560xf32, #tpu.memory_space<vmem>>, vector<16xf32>,
    }
    %scan3A_29 = arith.constant 160 : i32
    %get3A = arith.constant 0 : index
    %get3A_30 = tpu.vector_load %arg22[%get3A] {strides = array<i32>} : memref<16xf32, #tpu.memory_space<vmem>>, vector<16xf32>,
    %eq3A_31 = arith.constant 0 : i32
    %eq3A_32 = vector.broadcast %eq3A_31 : i32 to vector<16xi32>
    %eq3A_33 = arith.cmpi eq, %iota3A, %eq3A_32 : vector<16xi32>
    %jit3A_34 = arith.constant -1.000000e+00 : f32
    %broadcast_in_dim3A_35 = vector.broadcast %jit3A_34 : f32 to vector<16xf32>
    %select_n3A_36 = arith.select %eq3A_33, %get3A_30, %broadcast_in_dim3A_35 : vector<16xi1>, vector<16xf32>
    %reduce_max3A = arith.constant true
    %reduce_max3A_37 = vector.broadcast %reduce_max3A : i1 to vector<16xi1>
    %reduce_max3A_38 = tpu.scan <max>, %select_n3A_36 masked %reduce_max3A_37 : vector<16xf32>, vector<16xi1> -> vector<16xf32>
    %reduce_max3A_39 = vector.extract %reduce_max3A_38[15] : f32 from vector<16xf32>
    %eq3A_40 = arith.constant 1 : i32
    %eq3A_41 = vector.broadcast %eq3A_40 : i32 to vector<16xi32>
    %eq3A_42 = arith.cmpi eq, %iota3A, %eq3A_41 : vector<16xi32>
    %jit3A_43 = arith.constant -1.000000e+00 : f32
    %broadcast_in_dim3A_44 = vector.broadcast %jit3A_43 : f32 to vector<16xf32>
    %select_n3A_45 = arith.select %eq3A_42, %get3A_30, %broadcast_in_dim3A_44 : vector<16xi1>, vector<16xf32>
    %reduce_max3A_46 = arith.constant true
    %reduce_max3A_47 = vector.broadcast %reduce_max3A_46 : i1 to vector<16xi1>
    %reduce_max3A_48 = tpu.scan <max>, %select_n3A_45 masked %reduce_max3A_47 : vector<16xf32>, vector<16xi1> -> vector<16xf32>
    %reduce_max3A_49 = vector.extract %reduce_max3A_48[15] : f32 from vector<16xf32>
    %eq3A_50 = arith.constant 2 : i32
    %eq3A_51 = vector.broadcast %eq3A_50 : i32 to vector<16xi32>
    %eq3A_52 = arith.cmpi eq, %iota3A, %eq3A_51 : vector<16xi32>
    %jit3A_53 = arith.constant -1.000000e+00 : f32
    %broadcast_in_dim3A_54 = vector.broadcast %jit3A_53 : f32 to vector<16xf32>
    %select_n3A_55 = arith.select %eq3A_52, %get3A_30, %broadcast_in_dim3A_54 : vector<16xi1>, vector<16xf32>
    %reduce_max3A_56 = arith.constant true
    %reduce_max3A_57 = vector.broadcast %reduce_max3A_56 : i1 to vector<16xi1>
    %reduce_max3A_58 = tpu.scan <max>, %select_n3A_55 masked %reduce_max3A_57 : vector<16xf32>, vector<16xi1> -> vector<16xf32>
    %reduce_max3A_59 = vector.extract %reduce_max3A_58[15] : f32 from vector<16xf32>
    tpu.vector_store_idx %arg15[%broadcast_in_dim3A_0], %broadcast_in_dim3A_0 masked %eq3A_2 : memref<512xi32, #tpu.memory_space<vmem>>[vector<16xi32>], vector<16xi32>, vector<16xi1>
    %eq3A_60 = arith.constant 0 : i32
    %eq3A_61 = arith.cmpi eq, %sub3A_20, %eq3A_60 : i32
    %convert_element_type3A = arith.extui %eq3A_61 : i1 to i32
    %cond3A = arith.constant 0 : i32
    %cond3A_62 = arith.cmpi ne, %convert_element_type3A, %cond3A : i32
    scf.if %cond3A_62 {
      %broadcast_in_dim3A_119 = vector.broadcast %reduce_max3A_39 : f32 to vector<16xf32>
      tpu.vector_store_idx %arg17[%broadcast_in_dim3A_0], %broadcast_in_dim3A_119 masked %eq3A_2 : memref<512xf32, #tpu.memory_space<vmem>>[vector<16xi32>], vector<16xf32>, vector<16xi1>
      %broadcast_in_dim3A_120 = vector.broadcast %reduce_max3A_49 : f32 to vector<16xf32>
      tpu.vector_store_idx %arg18[%broadcast_in_dim3A_0], %broadcast_in_dim3A_120 masked %eq3A_2 : memref<512xf32, #tpu.memory_space<vmem>>[vector<16xi32>], vector<16xf32>, vector<16xi1>
      %broadcast_in_dim3A_121 = vector.broadcast %reduce_max3A_59 : f32 to vector<16xf32>
      tpu.vector_store_idx %arg19[%broadcast_in_dim3A_0], %broadcast_in_dim3A_121 masked %eq3A_2 : memref<512xf32, #tpu.memory_space<vmem>>[vector<16xi32>], vector<16xf32>, vector<16xi1>
    } else {
    }
    %scan3A_63 = arith.constant 1 : i32
    %scan3A_64 = arith.constant 511 : i32
    %scan3A_65 = arith.addi %scan3A_63, %scan3A_64 : i32
    %scan3A_66 = arith.constant 1 : i32
    %scan3A_67:3 = scf.for %scan3A_119 = %scan3A_63 to %scan3A_65 step %scan3A_66 iter_args(%scan3A_120 = %reduce_max3A_39, %scan3A_121 = %reduce_max3A_49, %scan3A_122 = %reduce_max3A_59) -> (f32, f32, f32)  : i32 {
      %broadcast_in_dim3A_123 = arith.constant -3.000000e+38 : f32
      %broadcast_in_dim3A_124 = vector.broadcast %broadcast_in_dim3A_123 : f32 to vector<16xf32>
      %parallel_loop3A = arith.constant 0 : i32
      %parallel_loop3A_125 = arith.constant 40 : i32
      %parallel_loop3A_126 = arith.constant 1 : i32
      %parallel_loop3A_127:8 = scf.for %parallel_loop3A_285 = %parallel_loop3A to %parallel_loop3A_125 step %parallel_loop3A_126 iter_args(%parallel_loop3A_286 = %broadcast_in_dim3A_124, %parallel_loop3A_287 = %broadcast_in_dim3A_0, %parallel_loop3A_288 = %broadcast_in_dim3A_124, %parallel_loop3A_289 = %broadcast_in_dim3A_0, %parallel_loop3A_290 = %broadcast_in_dim3A_124, %parallel_loop3A_291 = %broadcast_in_dim3A_0, %parallel_loop3A_292 = %broadcast_in_dim3A_124, %parallel_loop3A_293 = %broadcast_in_dim3A_0) -> (vector<16xf32>, vector<16xi32>, vector<16xf32>, vector<16xi32>, vector<16xf32>, vector<16xi32>, vector<16xf32>, vector<16xi32>)  : i32 {
        %parallel_loop3A_294 = arith.constant 4 : i32
        %parallel_loop3A_295 = arith.muli %parallel_loop3A_285, %parallel_loop3A_294 : i32
        %parallel_loop3A_296 = arith.constant 0 : i32
        %parallel_loop3A_297 = arith.addi %parallel_loop3A_295, %parallel_loop3A_296 : i32
        %parallel_loop3A_298 = arith.constant 16 : i32
        %parallel_loop3A_299 = arith.muli %parallel_loop3A_297, %parallel_loop3A_298 : i32
        %parallel_loop3A_300 = arith.index_cast %parallel_loop3A_299 : i32 to index
        %parallel_loop3A_301 = tpu.vector_load %arg11[%parallel_loop3A_300] {strides = array<i32>} : memref<2560xf32, #tpu.memory_space<vmem>>, vector<16xf32>,
        %parallel_loop3A_302 = vector.broadcast %scan3A_120 : f32 to vector<16xf32>
        %parallel_loop3A_303 = arith.subf %parallel_loop3A_301, %parallel_loop3A_302 : vector<16xf32>
        %parallel_loop3A_304 = arith.index_cast %parallel_loop3A_299 : i32 to index
        %parallel_loop3A_305 = tpu.vector_load %arg12[%parallel_loop3A_304] {strides = array<i32>} : memref<2560xf32, #tpu.memory_space<vmem>>, vector<16xf32>,
        %parallel_loop3A_306 = vector.broadcast %scan3A_121 : f32 to vector<16xf32>
        %parallel_loop3A_307 = arith.subf %parallel_loop3A_305, %parallel_loop3A_306 : vector<16xf32>
        %parallel_loop3A_308 = arith.index_cast %parallel_loop3A_299 : i32 to index
        %parallel_loop3A_309 = tpu.vector_load %arg13[%parallel_loop3A_308] {strides = array<i32>} : memref<2560xf32, #tpu.memory_space<vmem>>, vector<16xf32>,
        %parallel_loop3A_310 = vector.broadcast %scan3A_122 : f32 to vector<16xf32>
        %parallel_loop3A_311 = arith.subf %parallel_loop3A_309, %parallel_loop3A_310 : vector<16xf32>
        %parallel_loop3A_312 = arith.mulf %parallel_loop3A_303, %parallel_loop3A_303 : vector<16xf32>
        %parallel_loop3A_313 = arith.mulf %parallel_loop3A_307, %parallel_loop3A_307 : vector<16xf32>
        %parallel_loop3A_314 = arith.addf %parallel_loop3A_312, %parallel_loop3A_313 : vector<16xf32>
        %parallel_loop3A_315 = arith.mulf %parallel_loop3A_311, %parallel_loop3A_311 : vector<16xf32>
        %parallel_loop3A_316 = arith.addf %parallel_loop3A_314, %parallel_loop3A_315 : vector<16xf32>
        %parallel_loop3A_317 = arith.index_cast %parallel_loop3A_299 : i32 to index
        %parallel_loop3A_318 = tpu.vector_load %arg14[%parallel_loop3A_317] {strides = array<i32>} : memref<2560xf32, #tpu.memory_space<vmem>>, vector<16xf32>,
        %parallel_loop3A_319 = arith.minimumf %parallel_loop3A_318, %parallel_loop3A_316 : vector<16xf32>
        %parallel_loop3A_320 = arith.index_cast %parallel_loop3A_299 : i32 to index
        %parallel_loop3A_321 = tpu.vector_load %arg14[%parallel_loop3A_320] {strides = array<i32>} : memref<2560xf32, #tpu.memory_space<vmem>>, vector<16xf32>,
        tpu.vector_store %arg14[%parallel_loop3A_320], %parallel_loop3A_319 {strides = array<i32>} : memref<2560xf32, #tpu.memory_space<vmem>>, vector<16xf32>,
        %parallel_loop3A_322 = arith.constant 16 : i32
        %parallel_loop3A_323 = arith.muli %parallel_loop3A_297, %parallel_loop3A_322 : i32
        %parallel_loop3A_324 = arith.addi %mul3A_24, %parallel_loop3A_323 : i32
        %parallel_loop3A_325 = vector.broadcast %parallel_loop3A_324 : i32 to vector<16xi32>
        %parallel_loop3A_326 = arith.addi %parallel_loop3A_325, %iota3A : vector<16xi32>
        %parallel_loop3A_327 = arith.cmpf ogt, %parallel_loop3A_319, %parallel_loop3A_286 : vector<16xf32>
        %parallel_loop3A_328 = arith.select %parallel_loop3A_327, %parallel_loop3A_326, %parallel_loop3A_287 : vector<16xi1>, vector<16xi32>
        %parallel_loop3A_329 = arith.select %parallel_loop3A_327, %parallel_loop3A_319, %parallel_loop3A_286 : vector<16xi1>, vector<16xf32>
        %parallel_loop3A_330 = arith.constant 4 : i32
        %parallel_loop3A_331 = arith.muli %parallel_loop3A_285, %parallel_loop3A_330 : i32
        %parallel_loop3A_332 = arith.constant 1 : i32
        %parallel_loop3A_333 = arith.addi %parallel_loop3A_331, %parallel_loop3A_332 : i32
        %parallel_loop3A_334 = arith.constant 16 : i32
        %parallel_loop3A_335 = arith.muli %parallel_loop3A_333, %parallel_loop3A_334 : i32
        %parallel_loop3A_336 = arith.index_cast %parallel_loop3A_335 : i32 to index
        %parallel_loop3A_337 = tpu.vector_load %arg11[%parallel_loop3A_336] {strides = array<i32>} : memref<2560xf32, #tpu.memory_space<vmem>>, vector<16xf32>,
        %parallel_loop3A_338 = vector.broadcast %scan3A_120 : f32 to vector<16xf32>
        %parallel_loop3A_339 = arith.subf %parallel_loop3A_337, %parallel_loop3A_338 : vector<16xf32>
        %parallel_loop3A_340 = arith.index_cast %parallel_loop3A_335 : i32 to index
        %parallel_loop3A_341 = tpu.vector_load %arg12[%parallel_loop3A_340] {strides = array<i32>} : memref<2560xf32, #tpu.memory_space<vmem>>, vector<16xf32>,
        %parallel_loop3A_342 = vector.broadcast %scan3A_121 : f32 to vector<16xf32>
        %parallel_loop3A_343 = arith.subf %parallel_loop3A_341, %parallel_loop3A_342 : vector<16xf32>
        %parallel_loop3A_344 = arith.index_cast %parallel_loop3A_335 : i32 to index
        %parallel_loop3A_345 = tpu.vector_load %arg13[%parallel_loop3A_344] {strides = array<i32>} : memref<2560xf32, #tpu.memory_space<vmem>>, vector<16xf32>,
        %parallel_loop3A_346 = vector.broadcast %scan3A_122 : f32 to vector<16xf32>
        %parallel_loop3A_347 = arith.subf %parallel_loop3A_345, %parallel_loop3A_346 : vector<16xf32>
        %parallel_loop3A_348 = arith.mulf %parallel_loop3A_339, %parallel_loop3A_339 : vector<16xf32>
        %parallel_loop3A_349 = arith.mulf %parallel_loop3A_343, %parallel_loop3A_343 : vector<16xf32>
        %parallel_loop3A_350 = arith.addf %parallel_loop3A_348, %parallel_loop3A_349 : vector<16xf32>
        %parallel_loop3A_351 = arith.mulf %parallel_loop3A_347, %parallel_loop3A_347 : vector<16xf32>
        %parallel_loop3A_352 = arith.addf %parallel_loop3A_350, %parallel_loop3A_351 : vector<16xf32>
        %parallel_loop3A_353 = arith.index_cast %parallel_loop3A_335 : i32 to index
        %parallel_loop3A_354 = tpu.vector_load %arg14[%parallel_loop3A_353] {strides = array<i32>} : memref<2560xf32, #tpu.memory_space<vmem>>, vector<16xf32>,
        %parallel_loop3A_355 = arith.minimumf %parallel_loop3A_354, %parallel_loop3A_352 : vector<16xf32>
        %parallel_loop3A_356 = arith.index_cast %parallel_loop3A_335 : i32 to index
        %parallel_loop3A_357 = tpu.vector_load %arg14[%parallel_loop3A_356] {strides = array<i32>} : memref<2560xf32, #tpu.memory_space<vmem>>, vector<16xf32>,
        tpu.vector_store %arg14[%parallel_loop3A_356], %parallel_loop3A_355 {strides = array<i32>} : memref<2560xf32, #tpu.memory_space<vmem>>, vector<16xf32>,
        %parallel_loop3A_358 = arith.constant 16 : i32
        %parallel_loop3A_359 = arith.muli %parallel_loop3A_333, %parallel_loop3A_358 : i32
        %parallel_loop3A_360 = arith.addi %mul3A_24, %parallel_loop3A_359 : i32
        %parallel_loop3A_361 = vector.broadcast %parallel_loop3A_360 : i32 to vector<16xi32>
        %parallel_loop3A_362 = arith.addi %parallel_loop3A_361, %iota3A : vector<16xi32>
        %parallel_loop3A_363 = arith.cmpf ogt, %parallel_loop3A_355, %parallel_loop3A_288 : vector<16xf32>
        %parallel_loop3A_364 = arith.select %parallel_loop3A_363, %parallel_loop3A_362, %parallel_loop3A_289 : vector<16xi1>, vector<16xi32>
        %parallel_loop3A_365 = arith.select %parallel_loop3A_363, %parallel_loop3A_355, %parallel_loop3A_288 : vector<16xi1>, vector<16xf32>
        %parallel_loop3A_366 = arith.constant 4 : i32
        %parallel_loop3A_367 = arith.muli %parallel_loop3A_285, %parallel_loop3A_366 : i32
        %parallel_loop3A_368 = arith.constant 2 : i32
        %parallel_loop3A_369 = arith.addi %parallel_loop3A_367, %parallel_loop3A_368 : i32
        %parallel_loop3A_370 = arith.constant 16 : i32
        %parallel_loop3A_371 = arith.muli %parallel_loop3A_369, %parallel_loop3A_370 : i32
        %parallel_loop3A_372 = arith.index_cast %parallel_loop3A_371 : i32 to index
        %parallel_loop3A_373 = tpu.vector_load %arg11[%parallel_loop3A_372] {strides = array<i32>} : memref<2560xf32, #tpu.memory_space<vmem>>, vector<16xf32>,
        %parallel_loop3A_374 = vector.broadcast %scan3A_120 : f32 to vector<16xf32>
        %parallel_loop3A_375 = arith.subf %parallel_loop3A_373, %parallel_loop3A_374 : vector<16xf32>
        %parallel_loop3A_376 = arith.index_cast %parallel_loop3A_371 : i32 to index
        %parallel_loop3A_377 = tpu.vector_load %arg12[%parallel_loop3A_376] {strides = array<i32>} : memref<2560xf32, #tpu.memory_space<vmem>>, vector<16xf32>,
        %parallel_loop3A_378 = vector.broadcast %scan3A_121 : f32 to vector<16xf32>
        %parallel_loop3A_379 = arith.subf %parallel_loop3A_377, %parallel_loop3A_378 : vector<16xf32>
        %parallel_loop3A_380 = arith.index_cast %parallel_loop3A_371 : i32 to index
        %parallel_loop3A_381 = tpu.vector_load %arg13[%parallel_loop3A_380] {strides = array<i32>} : memref<2560xf32, #tpu.memory_space<vmem>>, vector<16xf32>,
        %parallel_loop3A_382 = vector.broadcast %scan3A_122 : f32 to vector<16xf32>
        %parallel_loop3A_383 = arith.subf %parallel_loop3A_381, %parallel_loop3A_382 : vector<16xf32>
        %parallel_loop3A_384 = arith.mulf %parallel_loop3A_375, %parallel_loop3A_375 : vector<16xf32>
        %parallel_loop3A_385 = arith.mulf %parallel_loop3A_379, %parallel_loop3A_379 : vector<16xf32>
        %parallel_loop3A_386 = arith.addf %parallel_loop3A_384, %parallel_loop3A_385 : vector<16xf32>
        %parallel_loop3A_387 = arith.mulf %parallel_loop3A_383, %parallel_loop3A_383 : vector<16xf32>
        %parallel_loop3A_388 = arith.addf %parallel_loop3A_386, %parallel_loop3A_387 : vector<16xf32>
        %parallel_loop3A_389 = arith.index_cast %parallel_loop3A_371 : i32 to index
        %parallel_loop3A_390 = tpu.vector_load %arg14[%parallel_loop3A_389] {strides = array<i32>} : memref<2560xf32, #tpu.memory_space<vmem>>, vector<16xf32>,
        %parallel_loop3A_391 = arith.minimumf %parallel_loop3A_390, %parallel_loop3A_388 : vector<16xf32>
        %parallel_loop3A_392 = arith.index_cast %parallel_loop3A_371 : i32 to index
        %parallel_loop3A_393 = tpu.vector_load %arg14[%parallel_loop3A_392] {strides = array<i32>} : memref<2560xf32, #tpu.memory_space<vmem>>, vector<16xf32>,
        tpu.vector_store %arg14[%parallel_loop3A_392], %parallel_loop3A_391 {strides = array<i32>} : memref<2560xf32, #tpu.memory_space<vmem>>, vector<16xf32>,
        %parallel_loop3A_394 = arith.constant 16 : i32
        %parallel_loop3A_395 = arith.muli %parallel_loop3A_369, %parallel_loop3A_394 : i32
        %parallel_loop3A_396 = arith.addi %mul3A_24, %parallel_loop3A_395 : i32
        %parallel_loop3A_397 = vector.broadcast %parallel_loop3A_396 : i32 to vector<16xi32>
        %parallel_loop3A_398 = arith.addi %parallel_loop3A_397, %iota3A : vector<16xi32>
        %parallel_loop3A_399 = arith.cmpf ogt, %parallel_loop3A_391, %parallel_loop3A_290 : vector<16xf32>
        %parallel_loop3A_400 = arith.select %parallel_loop3A_399, %parallel_loop3A_398, %parallel_loop3A_291 : vector<16xi1>, vector<16xi32>
        %parallel_loop3A_401 = arith.select %parallel_loop3A_399, %parallel_loop3A_391, %parallel_loop3A_290 : vector<16xi1>, vector<16xf32>
        %parallel_loop3A_402 = arith.constant 4 : i32
        %parallel_loop3A_403 = arith.muli %parallel_loop3A_285, %parallel_loop3A_402 : i32
        %parallel_loop3A_404 = arith.constant 3 : i32
        %parallel_loop3A_405 = arith.addi %parallel_loop3A_403, %parallel_loop3A_404 : i32
        %parallel_loop3A_406 = arith.constant 16 : i32
        %parallel_loop3A_407 = arith.muli %parallel_loop3A_405, %parallel_loop3A_406 : i32
        %parallel_loop3A_408 = arith.index_cast %parallel_loop3A_407 : i32 to index
        %parallel_loop3A_409 = tpu.vector_load %arg11[%parallel_loop3A_408] {strides = array<i32>} : memref<2560xf32, #tpu.memory_space<vmem>>, vector<16xf32>,
        %parallel_loop3A_410 = vector.broadcast %scan3A_120 : f32 to vector<16xf32>
        %parallel_loop3A_411 = arith.subf %parallel_loop3A_409, %parallel_loop3A_410 : vector<16xf32>
        %parallel_loop3A_412 = arith.index_cast %parallel_loop3A_407 : i32 to index
        %parallel_loop3A_413 = tpu.vector_load %arg12[%parallel_loop3A_412] {strides = array<i32>} : memref<2560xf32, #tpu.memory_space<vmem>>, vector<16xf32>,
        %parallel_loop3A_414 = vector.broadcast %scan3A_121 : f32 to vector<16xf32>
        %parallel_loop3A_415 = arith.subf %parallel_loop3A_413, %parallel_loop3A_414 : vector<16xf32>
        %parallel_loop3A_416 = arith.index_cast %parallel_loop3A_407 : i32 to index
        %parallel_loop3A_417 = tpu.vector_load %arg13[%parallel_loop3A_416] {strides = array<i32>} : memref<2560xf32, #tpu.memory_space<vmem>>, vector<16xf32>,
        %parallel_loop3A_418 = vector.broadcast %scan3A_122 : f32 to vector<16xf32>
        %parallel_loop3A_419 = arith.subf %parallel_loop3A_417, %parallel_loop3A_418 : vector<16xf32>
        %parallel_loop3A_420 = arith.mulf %parallel_loop3A_411, %parallel_loop3A_411 : vector<16xf32>
        %parallel_loop3A_421 = arith.mulf %parallel_loop3A_415, %parallel_loop3A_415 : vector<16xf32>
        %parallel_loop3A_422 = arith.addf %parallel_loop3A_420, %parallel_loop3A_421 : vector<16xf32>
        %parallel_loop3A_423 = arith.mulf %parallel_loop3A_419, %parallel_loop3A_419 : vector<16xf32>
        %parallel_loop3A_424 = arith.addf %parallel_loop3A_422, %parallel_loop3A_423 : vector<16xf32>
        %parallel_loop3A_425 = arith.index_cast %parallel_loop3A_407 : i32 to index
        %parallel_loop3A_426 = tpu.vector_load %arg14[%parallel_loop3A_425] {strides = array<i32>} : memref<2560xf32, #tpu.memory_space<vmem>>, vector<16xf32>,
        %parallel_loop3A_427 = arith.minimumf %parallel_loop3A_426, %parallel_loop3A_424 : vector<16xf32>
        %parallel_loop3A_428 = arith.index_cast %parallel_loop3A_407 : i32 to index
        %parallel_loop3A_429 = tpu.vector_load %arg14[%parallel_loop3A_428] {strides = array<i32>} : memref<2560xf32, #tpu.memory_space<vmem>>, vector<16xf32>,
        tpu.vector_store %arg14[%parallel_loop3A_428], %parallel_loop3A_427 {strides = array<i32>} : memref<2560xf32, #tpu.memory_space<vmem>>, vector<16xf32>,
        %parallel_loop3A_430 = arith.constant 16 : i32
        %parallel_loop3A_431 = arith.muli %parallel_loop3A_405, %parallel_loop3A_430 : i32
        %parallel_loop3A_432 = arith.addi %mul3A_24, %parallel_loop3A_431 : i32
        %parallel_loop3A_433 = vector.broadcast %parallel_loop3A_432 : i32 to vector<16xi32>
        %parallel_loop3A_434 = arith.addi %parallel_loop3A_433, %iota3A : vector<16xi32>
        %parallel_loop3A_435 = arith.cmpf ogt, %parallel_loop3A_427, %parallel_loop3A_292 : vector<16xf32>
        %parallel_loop3A_436 = arith.select %parallel_loop3A_435, %parallel_loop3A_434, %parallel_loop3A_293 : vector<16xi1>, vector<16xi32>
        %parallel_loop3A_437 = arith.select %parallel_loop3A_435, %parallel_loop3A_427, %parallel_loop3A_292 : vector<16xi1>, vector<16xf32>
        scf.yield %parallel_loop3A_329, %parallel_loop3A_328, %parallel_loop3A_365, %parallel_loop3A_364, %parallel_loop3A_401, %parallel_loop3A_400, %parallel_loop3A_437, %parallel_loop3A_436 : vector<16xf32>, vector<16xi32>, vector<16xf32>, vector<16xi32>, vector<16xf32>, vector<16xi32>, vector<16xf32>, vector<16xi32>
      } {sc.loop_unroll_factor = 4 : i64, sc.parallel_access}
      %max3A = arith.maximumf %parallel_loop3A_127#0, %parallel_loop3A_127#2 : vector<16xf32>
      %eq3A_128 = arith.cmpf oeq, %parallel_loop3A_127#0, %max3A : vector<16xf32>
      %jit3A_129 = arith.constant 1073741824 : i32
      %broadcast_in_dim3A_130 = vector.broadcast %jit3A_129 : i32 to vector<16xi32>
      %select_n3A_131 = arith.select %eq3A_128, %parallel_loop3A_127#1, %broadcast_in_dim3A_130 : vector<16xi1>, vector<16xi32>
      %eq3A_132 = arith.cmpf oeq, %parallel_loop3A_127#2, %max3A : vector<16xf32>
      %jit3A_133 = arith.constant 1073741824 : i32
      %broadcast_in_dim3A_134 = vector.broadcast %jit3A_133 : i32 to vector<16xi32>
      %select_n3A_135 = arith.select %eq3A_132, %parallel_loop3A_127#3, %broadcast_in_dim3A_134 : vector<16xi1>, vector<16xi32>
      %min3A = arith.minsi %select_n3A_131, %select_n3A_135 : vector<16xi32>
      %max3A_136 = arith.maximumf %parallel_loop3A_127#4, %parallel_loop3A_127#6 : vector<16xf32>
      %eq3A_137 = arith.cmpf oeq, %parallel_loop3A_127#4, %max3A_136 : vector<16xf32>
      %jit3A_138 = arith.constant 1073741824 : i32
      %broadcast_in_dim3A_139 = vector.broadcast %jit3A_138 : i32 to vector<16xi32>
      %select_n3A_140 = arith.select %eq3A_137, %parallel_loop3A_127#5, %broadcast_in_dim3A_139 : vector<16xi1>, vector<16xi32>
      %eq3A_141 = arith.cmpf oeq, %parallel_loop3A_127#6, %max3A_136 : vector<16xf32>
      %jit3A_142 = arith.constant 1073741824 : i32
      %broadcast_in_dim3A_143 = vector.broadcast %jit3A_142 : i32 to vector<16xi32>
      %select_n3A_144 = arith.select %eq3A_141, %parallel_loop3A_127#7, %broadcast_in_dim3A_143 : vector<16xi1>, vector<16xi32>
      %min3A_145 = arith.minsi %select_n3A_140, %select_n3A_144 : vector<16xi32>
      %max3A_146 = arith.maximumf %max3A, %max3A_136 : vector<16xf32>
      %eq3A_147 = arith.cmpf oeq, %max3A, %max3A_146 : vector<16xf32>
      %jit3A_148 = arith.constant 1073741824 : i32
      %broadcast_in_dim3A_149 = vector.broadcast %jit3A_148 : i32 to vector<16xi32>
      %select_n3A_150 = arith.select %eq3A_147, %min3A, %broadcast_in_dim3A_149 : vector<16xi1>, vector<16xi32>
      %eq3A_151 = arith.cmpf oeq, %max3A_136, %max3A_146 : vector<16xf32>
      %jit3A_152 = arith.constant 1073741824 : i32
      %broadcast_in_dim3A_153 = vector.broadcast %jit3A_152 : i32 to vector<16xi32>
      %select_n3A_154 = arith.select %eq3A_151, %min3A_145, %broadcast_in_dim3A_153 : vector<16xi1>, vector<16xi32>
      %min3A_155 = arith.minsi %select_n3A_150, %select_n3A_154 : vector<16xi32>
      %reduce_max3A_156 = arith.constant true
      %reduce_max3A_157 = vector.broadcast %reduce_max3A_156 : i1 to vector<16xi1>
      %reduce_max3A_158 = tpu.scan <max>, %max3A_146 masked %reduce_max3A_157 : vector<16xf32>, vector<16xi1> -> vector<16xf32>
      %reduce_max3A_159 = vector.extract %reduce_max3A_158[15] : f32 from vector<16xf32>
      %eq3A_160 = vector.broadcast %reduce_max3A_159 : f32 to vector<16xf32>
      %eq3A_161 = arith.cmpf oeq, %max3A_146, %eq3A_160 : vector<16xf32>
      %jit3A_162 = arith.constant 1073741824 : i32
      %broadcast_in_dim3A_163 = vector.broadcast %jit3A_162 : i32 to vector<16xi32>
      %select_n3A_164 = arith.select %eq3A_161, %min3A_155, %broadcast_in_dim3A_163 : vector<16xi1>, vector<16xi32>
      %reduce_min3A = arith.constant true
      %reduce_min3A_165 = vector.broadcast %reduce_min3A : i1 to vector<16xi1>
      %reduce_min3A_166 = arith.constant -2147483648 : i32
      %reduce_min3A_167 = vector.broadcast %reduce_min3A_166 : i32 to vector<16xi32>
      %reduce_min3A_168 = arith.xori %select_n3A_164, %reduce_min3A_167 : vector<16xi32>
      %reduce_min3A_169 = tpu.scan <min>, %reduce_min3A_168 masked %reduce_min3A_165 : vector<16xi32>, vector<16xi1> -> vector<16xi32>
      %reduce_min3A_170 = arith.xori %reduce_min3A_169, %reduce_min3A_167 : vector<16xi32>
      %reduce_min3A_171 = vector.extract %reduce_min3A_170[15] : i32 from vector<16xi32>
      %sub3A_172 = arith.subi %reduce_min3A_171, %mul3A_24 : i32
      %broadcast_in_dim3A_173 = vector.broadcast %sub3A_172 : i32 to vector<16xi32>
      %gather3A = tpu.vector_load_idx %arg11[%broadcast_in_dim3A_173] : memref<2560xf32, #tpu.memory_space<vmem>>[vector<16xi32>], vector<16xf32>,
      %gather3A_174 = tpu.vector_load_idx %arg12[%broadcast_in_dim3A_173] : memref<2560xf32, #tpu.memory_space<vmem>>[vector<16xi32>], vector<16xf32>,
      %gather3A_175 = tpu.vector_load_idx %arg13[%broadcast_in_dim3A_173] : memref<2560xf32, #tpu.memory_space<vmem>>[vector<16xi32>], vector<16xf32>,
      %broadcast_in_dim3A_176 = vector.broadcast %reduce_min3A_171 : i32 to vector<16xi32>
      %bitcast3A = vector.bitcast %broadcast_in_dim3A_176 : vector<16xi32> to vector<16xf32>
      %eq3A_177 = arith.constant 0 : i32
      %eq3A_178 = vector.broadcast %eq3A_177 : i32 to vector<16xi32>
      %eq3A_179 = arith.cmpi eq, %iota3A, %eq3A_178 : vector<16xi32>
      %broadcast_in_dim3A_180 = vector.broadcast %reduce_max3A_159 : f32 to vector<16xf32>
      %jit3A_181 = arith.constant 0.000000e+00 : f32
      %broadcast_in_dim3A_182 = vector.broadcast %jit3A_181 : f32 to vector<16xf32>
      %select_n3A_183 = arith.select %eq3A_179, %broadcast_in_dim3A_180, %broadcast_in_dim3A_182 : vector<16xi1>, vector<16xf32>
      %eq3A_184 = arith.constant 1 : i32
      %eq3A_185 = vector.broadcast %eq3A_184 : i32 to vector<16xi32>
      %eq3A_186 = arith.cmpi eq, %iota3A, %eq3A_185 : vector<16xi32>
      %select_n3A_187 = arith.select %eq3A_186, %bitcast3A, %select_n3A_183 : vector<16xi1>, vector<16xf32>
      %eq3A_188 = arith.constant 2 : i32
      %eq3A_189 = vector.broadcast %eq3A_188 : i32 to vector<16xi32>
      %eq3A_190 = arith.cmpi eq, %iota3A, %eq3A_189 : vector<16xi32>
      %select_n3A_191 = arith.select %eq3A_190, %gather3A, %select_n3A_187 : vector<16xi1>, vector<16xf32>
      %eq3A_192 = arith.constant 3 : i32
      %eq3A_193 = vector.broadcast %eq3A_192 : i32 to vector<16xi32>
      %eq3A_194 = arith.cmpi eq, %iota3A, %eq3A_193 : vector<16xi32>
      %select_n3A_195 = arith.select %eq3A_194, %gather3A_174, %select_n3A_191 : vector<16xi1>, vector<16xf32>
      %eq3A_196 = arith.constant 4 : i32
      %eq3A_197 = vector.broadcast %eq3A_196 : i32 to vector<16xi32>
      %eq3A_198 = arith.cmpi eq, %iota3A, %eq3A_197 : vector<16xi32>
      %select_n3A_199 = arith.select %eq3A_198, %gather3A_175, %select_n3A_195 : vector<16xi1>, vector<16xf32>
      %swap3A_200 = arith.constant 0 : index
      %swap3A_201 = tpu.vector_load %arg20[%swap3A_200] {strides = array<i32>} : memref<16xf32, #tpu.memory_space<vmem>>, vector<16xf32>,
      tpu.vector_store %arg20[%swap3A_200], %select_n3A_199 {strides = array<i32>} : memref<16xf32, #tpu.memory_space<vmem>>, vector<16xf32>,
      %and3A_202 = arith.constant 1 : i32
      %and3A_203 = arith.andi %scan3A_119, %and3A_202 : i32
      %mul3A_204 = arith.constant 256 : i32
      %mul3A_205 = arith.muli %and3A_203, %mul3A_204 : i32
      %mul3A_206 = arith.constant 16 : i32
      %mul3A_207 = arith.muli %arg1, %mul3A_206 : i32
      %add3A_208 = arith.addi %mul3A_205, %mul3A_207 : i32
      "tpu.region"() ({
        %run_scoped3A = tpu.sem_alloc : memref<!tpu.dma_semaphore, #tpu.memory_space<semaphore_mem>>
        %dma_start3A_285 = tpu.memref_slice %arg24[%add3A_208] : memref<512xf32, #tpu.memory_space<vmem_shared>> -> memref<16xf32, #tpu.memory_space<vmem_shared>>
        %dma_start3A_286 = tpu.memref_slice %arg24[%add3A_208] : memref<512xf32, #tpu.memory_space<vmem_shared>> -> memref<16xf32, #tpu.memory_space<vmem_shared>>
        tpu.enqueue_dma source(%arg20 : memref<16xf32, #tpu.memory_space<vmem>>) target(%dma_start3A_286 : memref<16xf32, #tpu.memory_space<vmem_shared>>) target_semaphore(%run_scoped3A : memref<!tpu.dma_semaphore, #tpu.memory_space<semaphore_mem>>)
        %dma_wait3A_287 = tpu.memref_slice %arg24[%add3A_208] : memref<512xf32, #tpu.memory_space<vmem_shared>> -> memref<16xf32, #tpu.memory_space<vmem_shared>>
        %dma_wait3A_288 = tpu.memref_slice %arg24[%add3A_208] : memref<512xf32, #tpu.memory_space<vmem_shared>> -> memref<16xf32, #tpu.memory_space<vmem_shared>>
        tpu.wait_dma2 semaphore(%run_scoped3A : memref<!tpu.dma_semaphore, #tpu.memory_space<semaphore_mem>>) src(%arg20 : memref<16xf32, #tpu.memory_space<vmem>>) dst(%dma_wait3A_288 : memref<16xf32, #tpu.memory_space<vmem_shared>>)
        tpu.yield
      }) : () -> ()
      %barrier3A = arith.constant 0 : index
      tpu.barrier barrier_id(%barrier3A)
      %mul3A_209 = arith.constant 256 : i32
      %mul3A_210 = arith.muli %and3A_203, %mul3A_209 : i32
      %mul3A_211 = arith.constant 128 : i32
      %mul3A_212 = arith.muli %select_n3A, %mul3A_211 : i32
      %add3A_213 = arith.addi %mul3A_210, %mul3A_212 : i32
      "tpu.region"() ({
        %run_scoped3A = tpu.sem_alloc : memref<!tpu.dma_semaphore, #tpu.memory_space<semaphore_mem>>
        %dma_start3A_285 = tpu.memref_slice %arg24[%add3A_213] : memref<512xf32, #tpu.memory_space<vmem_shared>> -> memref<128xf32, #tpu.memory_space<vmem_shared>>
        %dma_start3A_286 = tpu.memref_slice %arg24[%add3A_213] : memref<512xf32, #tpu.memory_space<vmem_shared>> -> memref<128xf32, #tpu.memory_space<vmem_shared>>
        tpu.enqueue_dma source(%dma_start3A_286 : memref<128xf32, #tpu.memory_space<vmem_shared>>) target(%arg21 : memref<128xf32, #tpu.memory_space<vmem>>) target_semaphore(%run_scoped3A : memref<!tpu.dma_semaphore, #tpu.memory_space<semaphore_mem>>)
        %dma_wait3A_287 = tpu.memref_slice %arg24[%add3A_213] : memref<512xf32, #tpu.memory_space<vmem_shared>> -> memref<128xf32, #tpu.memory_space<vmem_shared>>
        %dma_wait3A_288 = tpu.memref_slice %arg24[%add3A_213] : memref<512xf32, #tpu.memory_space<vmem_shared>> -> memref<128xf32, #tpu.memory_space<vmem_shared>>
        tpu.wait_dma2 semaphore(%run_scoped3A : memref<!tpu.dma_semaphore, #tpu.memory_space<semaphore_mem>>) src(%dma_wait3A_288 : memref<128xf32, #tpu.memory_space<vmem_shared>>) dst(%arg21 : memref<128xf32, #tpu.memory_space<vmem>>)
        tpu.yield
      }) : () -> ()
      %and3A_214 = arith.constant 7 : i32
      %and3A_215 = vector.broadcast %and3A_214 : i32 to vector<16xi32>
      %and3A_216 = arith.andi %iota3A, %and3A_215 : vector<16xi32>
      %mul3A_217 = arith.constant 16 : i32
      %mul3A_218 = vector.broadcast %mul3A_217 : i32 to vector<16xi32>
      %mul3A_219 = arith.muli %and3A_216, %mul3A_218 : vector<16xi32>
      %gather3A_220 = tpu.vector_load_idx %arg21[%mul3A_219] : memref<128xf32, #tpu.memory_space<vmem>>[vector<16xi32>], vector<16xf32>,
      %add3A_221 = arith.constant 1 : i32
      %add3A_222 = vector.broadcast %add3A_221 : i32 to vector<16xi32>
      %add3A_223 = arith.addi %mul3A_219, %add3A_222 : vector<16xi32>
      %gather3A_224 = tpu.vector_load_idx %arg21[%add3A_223] : memref<128xf32, #tpu.memory_space<vmem>>[vector<16xi32>], vector<16xf32>,
      %bitcast3A_225 = vector.bitcast %gather3A_224 : vector<16xf32> to vector<16xi32>
      %reduce_max3A_226 = arith.constant true
      %reduce_max3A_227 = vector.broadcast %reduce_max3A_226 : i1 to vector<16xi1>
      %reduce_max3A_228 = tpu.scan <max>, %gather3A_220 masked %reduce_max3A_227 : vector<16xf32>, vector<16xi1> -> vector<16xf32>
      %reduce_max3A_229 = vector.extract %reduce_max3A_228[15] : f32 from vector<16xf32>
      %eq3A_230 = vector.broadcast %reduce_max3A_229 : f32 to vector<16xf32>
      %eq3A_231 = arith.cmpf oeq, %gather3A_220, %eq3A_230 : vector<16xf32>
      %jit3A_232 = arith.constant 1073741824 : i32
      %broadcast_in_dim3A_233 = vector.broadcast %jit3A_232 : i32 to vector<16xi32>
      %select_n3A_234 = arith.select %eq3A_231, %bitcast3A_225, %broadcast_in_dim3A_233 : vector<16xi1>, vector<16xi32>
      %reduce_min3A_235 = arith.constant true
      %reduce_min3A_236 = vector.broadcast %reduce_min3A_235 : i1 to vector<16xi1>
      %reduce_min3A_237 = arith.constant -2147483648 : i32
      %reduce_min3A_238 = vector.broadcast %reduce_min3A_237 : i32 to vector<16xi32>
      %reduce_min3A_239 = arith.xori %select_n3A_234, %reduce_min3A_238 : vector<16xi32>
      %reduce_min3A_240 = tpu.scan <min>, %reduce_min3A_239 masked %reduce_min3A_236 : vector<16xi32>, vector<16xi1> -> vector<16xi32>
      %reduce_min3A_241 = arith.xori %reduce_min3A_240, %reduce_min3A_238 : vector<16xi32>
      %reduce_min3A_242 = vector.extract %reduce_min3A_241[15] : i32 from vector<16xi32>
      %eq3A_243 = vector.broadcast %reduce_min3A_242 : i32 to vector<16xi32>
      %eq3A_244 = arith.cmpi eq, %select_n3A_234, %eq3A_243 : vector<16xi32>
      %add3A_245 = arith.constant 2 : i32
      %add3A_246 = vector.broadcast %add3A_245 : i32 to vector<16xi32>
      %add3A_247 = arith.addi %mul3A_219, %add3A_246 : vector<16xi32>
      %gather3A_248 = tpu.vector_load_idx %arg21[%add3A_247] : memref<128xf32, #tpu.memory_space<vmem>>[vector<16xi32>], vector<16xf32>,
      %add3A_249 = arith.constant 3 : i32
      %add3A_250 = vector.broadcast %add3A_249 : i32 to vector<16xi32>
      %add3A_251 = arith.addi %mul3A_219, %add3A_250 : vector<16xi32>
      %gather3A_252 = tpu.vector_load_idx %arg21[%add3A_251] : memref<128xf32, #tpu.memory_space<vmem>>[vector<16xi32>], vector<16xf32>,
      %add3A_253 = arith.constant 4 : i32
      %add3A_254 = vector.broadcast %add3A_253 : i32 to vector<16xi32>
      %add3A_255 = arith.addi %mul3A_219, %add3A_254 : vector<16xi32>
      %gather3A_256 = tpu.vector_load_idx %arg21[%add3A_255] : memref<128xf32, #tpu.memory_space<vmem>>[vector<16xi32>], vector<16xf32>,
      %jit3A_257 = arith.constant -1.000000e+00 : f32
      %broadcast_in_dim3A_258 = vector.broadcast %jit3A_257 : f32 to vector<16xf32>
      %select_n3A_259 = arith.select %eq3A_244, %gather3A_248, %broadcast_in_dim3A_258 : vector<16xi1>, vector<16xf32>
      %reduce_max3A_260 = arith.constant true
      %reduce_max3A_261 = vector.broadcast %reduce_max3A_260 : i1 to vector<16xi1>
      %reduce_max3A_262 = tpu.scan <max>, %select_n3A_259 masked %reduce_max3A_261 : vector<16xf32>, vector<16xi1> -> vector<16xf32>
      %reduce_max3A_263 = vector.extract %reduce_max3A_262[15] : f32 from vector<16xf32>
      %jit3A_264 = arith.constant -1.000000e+00 : f32
      %broadcast_in_dim3A_265 = vector.broadcast %jit3A_264 : f32 to vector<16xf32>
      %select_n3A_266 = arith.select %eq3A_244, %gather3A_252, %broadcast_in_dim3A_265 : vector<16xi1>, vector<16xf32>
      %reduce_max3A_267 = arith.constant true
      %reduce_max3A_268 = vector.broadcast %reduce_max3A_267 : i1 to vector<16xi1>
      %reduce_max3A_269 = tpu.scan <max>, %select_n3A_266 masked %reduce_max3A_268 : vector<16xf32>, vector<16xi1> -> vector<16xf32>
      %reduce_max3A_270 = vector.extract %reduce_max3A_269[15] : f32 from vector<16xf32>
      %jit3A_271 = arith.constant -1.000000e+00 : f32
      %broadcast_in_dim3A_272 = vector.broadcast %jit3A_271 : f32 to vector<16xf32>
      %select_n3A_273 = arith.select %eq3A_244, %gather3A_256, %broadcast_in_dim3A_272 : vector<16xi1>, vector<16xf32>
      %reduce_max3A_274 = arith.constant true
      %reduce_max3A_275 = vector.broadcast %reduce_max3A_274 : i1 to vector<16xi1>
      %reduce_max3A_276 = tpu.scan <max>, %select_n3A_273 masked %reduce_max3A_275 : vector<16xf32>, vector<16xi1> -> vector<16xf32>
      %reduce_max3A_277 = vector.extract %reduce_max3A_276[15] : f32 from vector<16xf32>
      %broadcast_in_dim3A_278 = vector.broadcast %scan3A_119 : i32 to vector<16xi32>
      %broadcast_in_dim3A_279 = vector.broadcast %reduce_min3A_242 : i32 to vector<16xi32>
      tpu.vector_store_idx %arg15[%broadcast_in_dim3A_278], %broadcast_in_dim3A_279 masked %eq3A_2 : memref<512xi32, #tpu.memory_space<vmem>>[vector<16xi32>], vector<16xi32>, vector<16xi1>
      %eq3A_280 = arith.constant 0 : i32
      %eq3A_281 = arith.cmpi eq, %sub3A_20, %eq3A_280 : i32
      %convert_element_type3A_282 = arith.extui %eq3A_281 : i1 to i32
      %cond3A_283 = arith.constant 0 : i32
      %cond3A_284 = arith.cmpi ne, %convert_element_type3A_282, %cond3A_283 : i32
      scf.if %cond3A_284 {
        %broadcast_in_dim3A_285 = vector.broadcast %reduce_max3A_263 : f32 to vector<16xf32>
        tpu.vector_store_idx %arg17[%broadcast_in_dim3A_278], %broadcast_in_dim3A_285 masked %eq3A_2 : memref<512xf32, #tpu.memory_space<vmem>>[vector<16xi32>], vector<16xf32>, vector<16xi1>
        %broadcast_in_dim3A_286 = vector.broadcast %reduce_max3A_270 : f32 to vector<16xf32>
        tpu.vector_store_idx %arg18[%broadcast_in_dim3A_278], %broadcast_in_dim3A_286 masked %eq3A_2 : memref<512xf32, #tpu.memory_space<vmem>>[vector<16xi32>], vector<16xf32>, vector<16xi1>
        %broadcast_in_dim3A_287 = vector.broadcast %reduce_max3A_277 : f32 to vector<16xf32>
        tpu.vector_store_idx %arg19[%broadcast_in_dim3A_278], %broadcast_in_dim3A_287 masked %eq3A_2 : memref<512xf32, #tpu.memory_space<vmem>>[vector<16xi32>], vector<16xf32>, vector<16xi1>
      } else {
      }
      scf.yield %reduce_max3A_263, %reduce_max3A_270, %reduce_max3A_277 : f32, f32, f32
    }
    %scan3A_68 = arith.constant 511 : i32
    %eq3A_69 = arith.constant 0 : i32
    %eq3A_70 = arith.cmpi eq, %sub3A_20, %eq3A_69 : i32
    %convert_element_type3A_71 = arith.extui %eq3A_70 : i1 to i32
    %cond3A_72 = arith.constant 0 : i32
    %cond3A_73 = arith.cmpi ne, %convert_element_type3A_71, %cond3A_72 : i32
    scf.if %cond3A_73 {
      "tpu.region"() ({
        %run_scoped3A = tpu.sem_alloc : memref<!tpu.dma_semaphore, #tpu.memory_space<semaphore_mem>>
        %dma_start3A_119 = arith.constant 0 : i32
        %dma_start3A_120 = tpu.memref_slice %arg8[%add3A, %dma_start3A_119] : memref<4x512xf32, #tpu.memory_space<hbm>> -> memref<1x512xf32, #tpu.memory_space<hbm>>
        %dma_start3A_121 = tpu.memref_squeeze %dma_start3A_120 : memref<1x512xf32, #tpu.memory_space<hbm>> -> memref<512xf32, #tpu.memory_space<hbm>>
        %dma_start3A_122 = arith.constant 0 : i32
        %dma_start3A_123 = tpu.memref_slice %arg8[%add3A, %dma_start3A_122] : memref<4x512xf32, #tpu.memory_space<hbm>> -> memref<1x512xf32, #tpu.memory_space<hbm>>
        %dma_start3A_124 = tpu.memref_squeeze %dma_start3A_123 : memref<1x512xf32, #tpu.memory_space<hbm>> -> memref<512xf32, #tpu.memory_space<hbm>>
        tpu.enqueue_dma source(%arg17 : memref<512xf32, #tpu.memory_space<vmem>>) target(%dma_start3A_124 : memref<512xf32, #tpu.memory_space<hbm>>) target_semaphore(%run_scoped3A : memref<!tpu.dma_semaphore, #tpu.memory_space<semaphore_mem>>)
        %dma_wait3A_125 = arith.constant 0 : i32
        %dma_wait3A_126 = tpu.memref_slice %arg8[%add3A, %dma_wait3A_125] : memref<4x512xf32, #tpu.memory_space<hbm>> -> memref<1x512xf32, #tpu.memory_space<hbm>>
        %dma_wait3A_127 = tpu.memref_squeeze %dma_wait3A_126 : memref<1x512xf32, #tpu.memory_space<hbm>> -> memref<512xf32, #tpu.memory_space<hbm>>
        %dma_wait3A_128 = arith.constant 0 : i32
        %dma_wait3A_129 = tpu.memref_slice %arg8[%add3A, %dma_wait3A_128] : memref<4x512xf32, #tpu.memory_space<hbm>> -> memref<1x512xf32, #tpu.memory_space<hbm>>
        %dma_wait3A_130 = tpu.memref_squeeze %dma_wait3A_129 : memref<1x512xf32, #tpu.memory_space<hbm>> -> memref<512xf32, #tpu.memory_space<hbm>>
        tpu.wait_dma2 semaphore(%run_scoped3A : memref<!tpu.dma_semaphore, #tpu.memory_space<semaphore_mem>>) src(%arg17 : memref<512xf32, #tpu.memory_space<vmem>>) dst(%dma_wait3A_130 : memref<512xf32, #tpu.memory_space<hbm>>)
        tpu.yield
      }) : () -> ()
      "tpu.region"() ({
        %run_scoped3A = tpu.sem_alloc : memref<!tpu.dma_semaphore, #tpu.memory_space<semaphore_mem>>
        %dma_start3A_119 = arith.constant 0 : i32
        %dma_start3A_120 = tpu.memref_slice %arg9[%add3A, %dma_start3A_119] : memref<4x512xf32, #tpu.memory_space<hbm>> -> memref<1x512xf32, #tpu.memory_space<hbm>>
        %dma_start3A_121 = tpu.memref_squeeze %dma_start3A_120 : memref<1x512xf32, #tpu.memory_space<hbm>> -> memref<512xf32, #tpu.memory_space<hbm>>
        %dma_start3A_122 = arith.constant 0 : i32
        %dma_start3A_123 = tpu.memref_slice %arg9[%add3A, %dma_start3A_122] : memref<4x512xf32, #tpu.memory_space<hbm>> -> memref<1x512xf32, #tpu.memory_space<hbm>>
        %dma_start3A_124 = tpu.memref_squeeze %dma_start3A_123 : memref<1x512xf32, #tpu.memory_space<hbm>> -> memref<512xf32, #tpu.memory_space<hbm>>
        tpu.enqueue_dma source(%arg18 : memref<512xf32, #tpu.memory_space<vmem>>) target(%dma_start3A_124 : memref<512xf32, #tpu.memory_space<hbm>>) target_semaphore(%run_scoped3A : memref<!tpu.dma_semaphore, #tpu.memory_space<semaphore_mem>>)
        %dma_wait3A_125 = arith.constant 0 : i32
        %dma_wait3A_126 = tpu.memref_slice %arg9[%add3A, %dma_wait3A_125] : memref<4x512xf32, #tpu.memory_space<hbm>> -> memref<1x512xf32, #tpu.memory_space<hbm>>
        %dma_wait3A_127 = tpu.memref_squeeze %dma_wait3A_126 : memref<1x512xf32, #tpu.memory_space<hbm>> -> memref<512xf32, #tpu.memory_space<hbm>>
        %dma_wait3A_128 = arith.constant 0 : i32
        %dma_wait3A_129 = tpu.memref_slice %arg9[%add3A, %dma_wait3A_128] : memref<4x512xf32, #tpu.memory_space<hbm>> -> memref<1x512xf32, #tpu.memory_space<hbm>>
        %dma_wait3A_130 = tpu.memref_squeeze %dma_wait3A_129 : memref<1x512xf32, #tpu.memory_space<hbm>> -> memref<512xf32, #tpu.memory_space<hbm>>
        tpu.wait_dma2 semaphore(%run_scoped3A : memref<!tpu.dma_semaphore, #tpu.memory_space<semaphore_mem>>) src(%arg18 : memref<512xf32, #tpu.memory_space<vmem>>) dst(%dma_wait3A_130 : memref<512xf32, #tpu.memory_space<hbm>>)
        tpu.yield
      }) : () -> ()
      "tpu.region"() ({
        %run_scoped3A = tpu.sem_alloc : memref<!tpu.dma_semaphore, #tpu.memory_space<semaphore_mem>>
        %dma_start3A_119 = arith.constant 0 : i32
        %dma_start3A_120 = tpu.memref_slice %arg10[%add3A, %dma_start3A_119] : memref<4x512xf32, #tpu.memory_space<hbm>> -> memref<1x512xf32, #tpu.memory_space<hbm>>
        %dma_start3A_121 = tpu.memref_squeeze %dma_start3A_120 : memref<1x512xf32, #tpu.memory_space<hbm>> -> memref<512xf32, #tpu.memory_space<hbm>>
        %dma_start3A_122 = arith.constant 0 : i32
        %dma_start3A_123 = tpu.memref_slice %arg10[%add3A, %dma_start3A_122] : memref<4x512xf32, #tpu.memory_space<hbm>> -> memref<1x512xf32, #tpu.memory_space<hbm>>
        %dma_start3A_124 = tpu.memref_squeeze %dma_start3A_123 : memref<1x512xf32, #tpu.memory_space<hbm>> -> memref<512xf32, #tpu.memory_space<hbm>>
        tpu.enqueue_dma source(%arg19 : memref<512xf32, #tpu.memory_space<vmem>>) target(%dma_start3A_124 : memref<512xf32, #tpu.memory_space<hbm>>) target_semaphore(%run_scoped3A : memref<!tpu.dma_semaphore, #tpu.memory_space<semaphore_mem>>)
        %dma_wait3A_125 = arith.constant 0 : i32
        %dma_wait3A_126 = tpu.memref_slice %arg10[%add3A, %dma_wait3A_125] : memref<4x512xf32, #tpu.memory_space<hbm>> -> memref<1x512xf32, #tpu.memory_space<hbm>>
        %dma_wait3A_127 = tpu.memref_squeeze %dma_wait3A_126 : memref<1x512xf32, #tpu.memory_space<hbm>> -> memref<512xf32, #tpu.memory_space<hbm>>
        %dma_wait3A_128 = arith.constant 0 : i32
        %dma_wait3A_129 = tpu.memref_slice %arg10[%add3A, %dma_wait3A_128] : memref<4x512xf32, #tpu.memory_space<hbm>> -> memref<1x512xf32, #tpu.memory_space<hbm>>
        %dma_wait3A_130 = tpu.memref_squeeze %dma_wait3A_129 : memref<1x512xf32, #tpu.memory_space<hbm>> -> memref<512xf32, #tpu.memory_space<hbm>>
        tpu.wait_dma2 semaphore(%run_scoped3A : memref<!tpu.dma_semaphore, #tpu.memory_space<semaphore_mem>>) src(%arg19 : memref<512xf32, #tpu.memory_space<vmem>>) dst(%dma_wait3A_130 : memref<512xf32, #tpu.memory_space<hbm>>)
        tpu.yield
      }) : () -> ()
    } else {
    }
    %mul3A_74 = arith.constant 64 : i32
    %mul3A_75 = arith.muli %sub3A_20, %mul3A_74 : i32
    %add3A_76 = arith.constant 0 : i32
    %add3A_77 = arith.addi %mul3A_75, %add3A_76 : i32
    %get3A_78 = arith.index_cast %add3A_77 : i32 to index
    %get3A_79 = tpu.vector_load %arg15[%get3A_78] {strides = array<i32>} : memref<512xi32, #tpu.memory_space<vmem>>, vector<16xi32>,
    %mul3A_80 = arith.constant 20000 : i32
    %mul3A_81 = arith.muli %add3A, %mul3A_80 : i32
    %add3A_82 = vector.broadcast %mul3A_81 : i32 to vector<16xi32>
    %add3A_83 = arith.addi %get3A_79, %add3A_82 : vector<16xi32>
    %swap3A = arith.constant 0 : index
    %swap3A_84 = tpu.vector_load %arg16[%swap3A] {strides = array<i32>} : memref<64xi32, #tpu.memory_space<vmem>>, vector<16xi32>,
    tpu.vector_store %arg16[%swap3A], %add3A_83 {strides = array<i32>} : memref<64xi32, #tpu.memory_space<vmem>>, vector<16xi32>,
    %add3A_85 = arith.constant 16 : i32
    %add3A_86 = arith.addi %mul3A_75, %add3A_85 : i32
    %get3A_87 = arith.index_cast %add3A_86 : i32 to index
    %get3A_88 = tpu.vector_load %arg15[%get3A_87] {strides = array<i32>} : memref<512xi32, #tpu.memory_space<vmem>>, vector<16xi32>,
    %mul3A_89 = arith.constant 20000 : i32
    %mul3A_90 = arith.muli %add3A, %mul3A_89 : i32
    %add3A_91 = vector.broadcast %mul3A_90 : i32 to vector<16xi32>
    %add3A_92 = arith.addi %get3A_88, %add3A_91 : vector<16xi32>
    %swap3A_93 = arith.constant 16 : index
    %swap3A_94 = tpu.vector_load %arg16[%swap3A_93] {strides = array<i32>} : memref<64xi32, #tpu.memory_space<vmem>>, vector<16xi32>,
    tpu.vector_store %arg16[%swap3A_93], %add3A_92 {strides = array<i32>} : memref<64xi32, #tpu.memory_space<vmem>>, vector<16xi32>,
    %add3A_95 = arith.constant 32 : i32
    %add3A_96 = arith.addi %mul3A_75, %add3A_95 : i32
    %get3A_97 = arith.index_cast %add3A_96 : i32 to index
    %get3A_98 = tpu.vector_load %arg15[%get3A_97] {strides = array<i32>} : memref<512xi32, #tpu.memory_space<vmem>>, vector<16xi32>,
    %mul3A_99 = arith.constant 20000 : i32
    %mul3A_100 = arith.muli %add3A, %mul3A_99 : i32
    %add3A_101 = vector.broadcast %mul3A_100 : i32 to vector<16xi32>
    %add3A_102 = arith.addi %get3A_98, %add3A_101 : vector<16xi32>
    %swap3A_103 = arith.constant 32 : index
    %swap3A_104 = tpu.vector_load %arg16[%swap3A_103] {strides = array<i32>} : memref<64xi32, #tpu.memory_space<vmem>>, vector<16xi32>,
    tpu.vector_store %arg16[%swap3A_103], %add3A_102 {strides = array<i32>} : memref<64xi32, #tpu.memory_space<vmem>>, vector<16xi32>,
    %add3A_105 = arith.constant 48 : i32
    %add3A_106 = arith.addi %mul3A_75, %add3A_105 : i32
    %get3A_107 = arith.index_cast %add3A_106 : i32 to index
    %get3A_108 = tpu.vector_load %arg15[%get3A_107] {strides = array<i32>} : memref<512xi32, #tpu.memory_space<vmem>>, vector<16xi32>,
    %mul3A_109 = arith.constant 20000 : i32
    %mul3A_110 = arith.muli %add3A, %mul3A_109 : i32
    %add3A_111 = vector.broadcast %mul3A_110 : i32 to vector<16xi32>
    %add3A_112 = arith.addi %get3A_108, %add3A_111 : vector<16xi32>
    %swap3A_113 = arith.constant 48 : index
    %swap3A_114 = tpu.vector_load %arg16[%swap3A_113] {strides = array<i32>} : memref<64xi32, #tpu.memory_space<vmem>>, vector<16xi32>,
    tpu.vector_store %arg16[%swap3A_113], %add3A_112 {strides = array<i32>} : memref<64xi32, #tpu.memory_space<vmem>>, vector<16xi32>,
    %dma_start3A = arith.constant 0 : i32
    %dma_start3A_115 = arith.constant 0 : i32
    %dma_start3A_116 = tpu.memref_slice %arg6[%dma_start3A, %dma_start3A_115] : memref<80000x128xf32, #tpu.memory_space<hbm>> -> memref<80000x128xf32, #tpu.memory_space<hbm>>
    tpu.enqueue_indirect_dma source(%dma_start3A_116 : memref<80000x128xf32, #tpu.memory_space<hbm>>) target(%arg23 : memref<64x128xf32, #tpu.memory_space<vmem>>) offsets(%arg16 : memref<64xi32, #tpu.memory_space<vmem>>) semaphore(%arg25 : memref<!tpu.dma_semaphore, #tpu.memory_space<semaphore_mem>>)
    %dma_wait3A = arith.constant 0 : i32
    %dma_wait3A_117 = arith.constant 0 : i32
    %dma_wait3A_118 = tpu.memref_slice %arg6[%dma_wait3A, %dma_wait3A_117] : memref<80000x128xf32, #tpu.memory_space<hbm>> -> memref<80000x128xf32, #tpu.memory_space<hbm>>
    tpu.wait_indirect_dma semaphore(%arg25 : memref<!tpu.dma_semaphore, #tpu.memory_space<semaphore_mem>>) src(%dma_wait3A_118 : memref<80000x128xf32, #tpu.memory_space<hbm>>) dst(%arg23 : memref<64x128xf32, #tpu.memory_space<vmem>>)
    "tpu.region"() ({
      %run_scoped3A = tpu.sem_alloc : memref<!tpu.dma_semaphore, #tpu.memory_space<semaphore_mem>>
      %dma_start3A_119 = arith.constant 0 : i32
      %dma_start3A_120 = tpu.memref_slice %arg7[%add3A, %mul3A_75, %dma_start3A_119] : memref<4x512x128xf32, #tpu.memory_space<hbm>> -> memref<1x64x128xf32, #tpu.memory_space<hbm>>
      %dma_start3A_121 = tpu.memref_squeeze %dma_start3A_120 : memref<1x64x128xf32, #tpu.memory_space<hbm>> -> memref<64x128xf32, #tpu.memory_space<hbm>>
      %dma_start3A_122 = arith.constant 0 : i32
      %dma_start3A_123 = tpu.memref_slice %arg7[%add3A, %mul3A_75, %dma_start3A_122] : memref<4x512x128xf32, #tpu.memory_space<hbm>> -> memref<1x64x128xf32, #tpu.memory_space<hbm>>
      %dma_start3A_124 = tpu.memref_squeeze %dma_start3A_123 : memref<1x64x128xf32, #tpu.memory_space<hbm>> -> memref<64x128xf32, #tpu.memory_space<hbm>>
      tpu.enqueue_dma source(%arg23 : memref<64x128xf32, #tpu.memory_space<vmem>>) target(%dma_start3A_124 : memref<64x128xf32, #tpu.memory_space<hbm>>) target_semaphore(%run_scoped3A : memref<!tpu.dma_semaphore, #tpu.memory_space<semaphore_mem>>)
      %dma_wait3A_125 = arith.constant 0 : i32
      %dma_wait3A_126 = tpu.memref_slice %arg7[%add3A, %mul3A_75, %dma_wait3A_125] : memref<4x512x128xf32, #tpu.memory_space<hbm>> -> memref<1x64x128xf32, #tpu.memory_space<hbm>>
      %dma_wait3A_127 = tpu.memref_squeeze %dma_wait3A_126 : memref<1x64x128xf32, #tpu.memory_space<hbm>> -> memref<64x128xf32, #tpu.memory_space<hbm>>
      %dma_wait3A_128 = arith.constant 0 : i32
      %dma_wait3A_129 = tpu.memref_slice %arg7[%add3A, %mul3A_75, %dma_wait3A_128] : memref<4x512x128xf32, #tpu.memory_space<hbm>> -> memref<1x64x128xf32, #tpu.memory_space<hbm>>
      %dma_wait3A_130 = tpu.memref_squeeze %dma_wait3A_129 : memref<1x64x128xf32, #tpu.memory_space<hbm>> -> memref<64x128xf32, #tpu.memory_space<hbm>>
      tpu.wait_dma2 semaphore(%run_scoped3A : memref<!tpu.dma_semaphore, #tpu.memory_space<semaphore_mem>>) src(%arg23 : memref<64x128xf32, #tpu.memory_space<vmem>>) dst(%dma_wait3A_130 : memref<64x128xf32, #tpu.memory_space<hbm>>)
      tpu.yield
    }) : () -> ()
    return
  }
}

</mosaic_0001>

<sc_bundles>
// kernel: _fps_gather.3.cloned.1.call-start
scs
__scs_entry_jumppad:
0x0: {  	(pc) =	sbr.rel $0x88, $3  }
0x1: {  	(tag) =	ssettag $0x0;
	lr =	simm.s32 $0x1  }
0x2: {  	[smem:$0x3F9C] =	sst lr;
	_ =	strace $0xD0000000  }
0x3: {  	_ = 	snop  }
0x4: {  	_ = 	snop  }
0x5: {  	_ = 	snop  }
0x6: {  	_ = 	snop  }
0x7: {  	_ = 	snop  }
__scs_overlays_trampoline_lowered:
0x8: {  	[smem:$0x3FAB] =	sst s0  }
0x9: {  	[smem:$0x3FAC] =	sst s1  }
0xa: {  	[smem:$0x3FAD] =	sst s2  }
0xb: {  	[smem:$0x3FAE] =	sst s3  }
0xc: {  	[smem:$0x3FAF] =	sst s4  }
0xd: {  	[smem:$0x3FB0] =	sst s5  }
0xe: {  	[smem:$0x3FB1] =	sst s6  }
0xf: {  	[smem:$0x3FB2] =	sst s7  }
0x10: {  	[smem:$0x3FB3] =	sst s8  }
0x11: {  	[smem:$0x3FB4] =	sst s9;
	s0 =	simm.s32 @!p0 $0x0  }
0x12: {  	s1 =	sld [smem:$0x3F9A];
	s0 =	simm.s32 @p0 $0x1  }
0x13: {  	[smem:$0x3FB5] =	sst s0;
	s0 =	simm.s32 @!p1 $0x0  }
0x14: {  	s2 =	sld [smem:$0x3F99];
	s0 =	simm.s32 @p1 $0x1  }
0x15: {  	[smem:$0x3FB6] =	sst s0;
	s0 =	simm.s32 @!p2 $0x0  }
0x16: {  	s3 =	sld [smem:$0x3FDB];
	s0 =	simm.s32 @p2 $0x1  }
0x17: {  	s4 =	simm.s32 $0x1BF5;
	[smem:$0x3FB8] =	sst s0  }
0x18: {  	s0 =	sld [smem:$0x3F9B];
	_ =	swait.ge [sflag:s4], $0x0  }
0x19: {  	s7 =	sld [smem:$0x3F9C]  }
0x1a: {  	s8 =	sadd.s32 $0xFFFFE003, lr  }
0x1b: {  	s9 =	sadd.s32 $0xFFFFFEF7, lr;
	s5 =	simm.s32 $0xFFFFFFFF;
	p2 =	slt.u32 s8, $0xFFFFF086  }
0x1c: {  	p1 =	slt.u32 s9, $0xF7A;
	s5 =	simm.s32 @!p2 $0x0  }
0x1d: {  	s5 =	simm.s32 @p1 $0x1;
	p0 =	seq.s32 s7, s2  }
0x1e: {  	s7 =	smul.u32 @!p0 $0xF7A, s2;
	p2 =	seq.s32 @!p0 s5, $0x0  }
0x1f: {  	s9 =	smul.u32 $0xF7A, s1;
	s8 =	simm.s32 @!p0 $0x1BF5;
	p2 =	por !p2, p0  }
0x20: {  	[sflag:s8] =	ssyncset.s32 @!p0 $0xFFFFF086;
	s6 =	sadd.s32 @!p0 s3, s7;
	s7 =	simm.s32 @!p0 $0x108  }
0x21: {  	s3 =	sadd.s32 s3, s9;
	s6 =	sadd.s32 @!p0 $0x88, s6;
	s7 =	simm.s32 @p2 $0x1082  }
0x22: {  	[simem:s7], [sflag:s8] =	dma.local @!p0 [hbm:s6], $0xF7A  }
0x23: {  	s9 =	sor.u32 $0xD0000000, s2;
	s6 =	simm.s32 $0x108;
	_ =	swait.ge @!p0 [sflag:s8], $0x0  }
0x24: {  	s3 =	sadd.s32 $0x88, s3;
	s6 =	simm.s32 @!p1 $0x1082;
	[sflag:s4] =	ssyncset.s32 $0xFFFFF086  }
0x25: {  	[simem:s6], [sflag:s4] =	dma.local [hbm:s3], $0xF7A  }
0x26: {  	[smem:$0x3F9C] =	sst s1;
	(tag) =	ssettag s2;
	_ =	strace s9  }
0x27: {  	s1 =	sld [smem:$0x3FAC]  }
0x28: {  	s2 =	sld [smem:$0x3FAD]  }
0x29: {  	s4 =	sld [smem:$0x3FAF]  }
0x2a: {  	p0 =	seq.s32 s5, $0x0;
	s5 =	sld [smem:$0x3FB0]  }
0x2b: {  	s6 =	sld [smem:$0x3FB1]  }
0x2c: {  	s7 =	sld [smem:$0x3FB2]  }
0x2d: {  	s3 =	simm.s32 $0x108;
	s8 =	sld [smem:$0x3FB3]  }
0x2e: {  	s3 =	simm.s32 @!p0 $0x1082;
	s9 =	sld [smem:$0x3FB4]  }
0x2f: {  	lr =	sadd.s32 s0, s3;
	s0 =	sld [smem:$0x3FAB]  }
0x30: {  	s3 =	sld [smem:$0x3FAE]  }
0x31: {  	[smem:$0x3FB7] =	sst s10  }
0x32: {  	s10 =	sld [smem:$0x3FB5];
	_ =	sdelay $0x3  }
0x33: {  	p0 =	seq.s32 s10, $0x1;
	s10 =	sld [smem:$0x3FB7];
	_ =	sdelay $0x3  }
0x34: {  	[smem:$0x3FB7] =	sst s10  }
0x35: {  	s10 =	sld [smem:$0x3FB6];
	_ =	sdelay $0x3  }
0x36: {  	p1 =	seq.s32 s10, $0x1;
	s10 =	sld [smem:$0x3FB7];
	_ =	sdelay $0x3  }
0x37: {  	[smem:$0x3FB7] =	sst s10  }
0x38: {  	s10 =	sld [smem:$0x3FB8]  }
0x39: {  	_ = 	snop;
	(pc) =	sbr.ind lr, $3  }
0x3a: {  	_ = 	snop  }
0x3b: {  	_ = 	snop  }
0x3c: {  	p2 =	seq.s32 s10, $0x1;
	s10 =	sld [smem:$0x3FB7]  }
0x3d: {  	_ =	shalt  }
0x3e: {  	_ =	shalt  }
0x3f: {  	_ =	shalt  }
0x40: {  	_ =	shalt  }
0x41: {  	_ =	shalt  }
0x42: {  	_ =	shalt  }
0x43: {  	_ =	shalt  }
0x44: {  	_ =	shalt  }
0x45: {  	_ =	shalt  }
0x46: {  	_ =	shalt  }
0x47: {  	_ =	shalt  }
0x48: {  	_ =	shalt  }
0x49: {  	_ =	shalt  }
0x4a: {  	_ =	shalt  }
0x4b: {  	_ =	shalt  }
0x4c: {  	_ =	shalt  }
0x4d: {  	_ =	shalt  }
0x4e: {  	_ =	shalt  }
0x4f: {  	_ =	shalt  }
0x50: {  	_ =	shalt  }
0x51: {  	_ =	shalt  }
0x52: {  	_ =	shalt  }
0x53: {  	_ =	shalt  }
0x54: {  	_ =	shalt  }
0x55: {  	_ =	shalt  }
0x56: {  	_ =	shalt  }
0x57: {  	_ =	shalt  }
0x58: {  	_ =	shalt  }
0x59: {  	_ =	shalt  }
0x5a: {  	_ =	shalt  }
0x5b: {  	_ =	shalt  }
0x5c: {  	_ =	shalt  }
0x5d: {  	_ =	shalt  }
0x5e: {  	_ =	shalt  }
0x5f: {  	_ =	shalt  }
0x60: {  	_ =	shalt  }
0x61: {  	_ =	shalt  }
0x62: {  	_ =	shalt  }
0x63: {  	_ =	shalt  }
0x64: {  	_ =	shalt  }
0x65: {  	_ =	shalt  }
0x66: {  	_ =	shalt  }
0x67: {  	_ =	shalt  }
0x68: {  	_ =	shalt  }
0x69: {  	_ =	shalt  }
0x6a: {  	_ =	shalt  }
0x6b: {  	_ =	shalt  }
0x6c: {  	_ =	shalt  }
0x6d: {  	_ =	shalt  }
0x6e: {  	_ =	shalt  }
0x6f: {  	_ =	shalt  }
0x70: {  	_ =	shalt  }
0x71: {  	_ =	shalt  }
0x72: {  	_ =	shalt  }
0x73: {  	_ =	shalt  }
0x74: {  	_ =	shalt  }
0x75: {  	_ =	shalt  }
0x76: {  	_ =	shalt  }
0x77: {  	_ =	shalt  }
0x78: {  	_ =	shalt  }
0x79: {  	_ =	shalt  }
0x7a: {  	_ =	shalt  }
0x7b: {  	_ =	shalt  }
0x7c: {  	_ =	shalt  }
0x7d: {  	_ =	shalt  }
0x7e: {  	_ =	shalt  }
0x7f: {  	_ =	shalt  }
0x80: {  	_ =	shalt  }
0x81: {  	_ =	shalt  }
0x82: {  	_ =	shalt  }
0x83: {  	_ =	shalt  }
0x84: {  	_ =	shalt  }
0x85: {  	_ =	shalt  }
0x86: {  	_ =	shalt  }
0x87: {  	_ =	shalt  }
.Lfunc_end0:
.L_simem_size_0:
called_computation_lowered:
.L_overlay_start_0:
0x88: {  	s2 =	sld [smem:$0x3FD9]  }
0x89: {  	s3 =	sld [smem:$0x3FFE];
	_ =	sdelay $0x1  }
0x8a: {  	s1 =	srdreg.scid  }
0x8b: {  	s0 =	sand.u32 $0x1, s1  }
0x8c: {  	s15 =	sshll.u32 s0, $0xA;
	s2 =	sadd.s32 s3, s2  }
0x8d: {  	s2 =	sadd.s32 s2, s15  }
0x8e: {  	[smem:$0x3FC3] =	sst s2  }
0x8f: {  	_ = 	snop  }
0x90: {  	s2 =	sld [smem:$0x3FC9]  }
0x91: {  	s16 =	sld [smem:$0x3FC8]  }
0x92: {  	s4 =	sld [smem:$0x3FD0]  }
0x93: {  	s5 =	sld [smem:$0x3FC7]  }
0x94: {  	s6 =	sld [smem:$0x3FC6]  }
0x95: {  	s8 =	simm.s32 $0xA;
	s9 =	simm.s32 $0x10;
	s7 =	sld [smem:$0x3FC5]  }
0x96: {  	[smem:s9], [sflag:s8] =	dma.local [hbm:s4], $0x1  }
0x97: {  	_ =	swait.eq [sflag:s8], $0x1  }
0x98: {  	s17 =	sld [smem:$0x10]  }
0x99: {  	s18 =	sld [smem:$0x11];
	[sflag:s8] =	ssyncset.done $0x0  }
0x9a: {  	s10 =	sld [smem:$0x12];
	[sflag:s8] =	ssyncadd.s32 $0xFFFFFFFF  }
0x9b: {  	s19 =	sld [smem:$0x13];
	(tm) =	ssettm $0x1  }
0x9c: {  	s11 =	sld [smem:$0x3FFB];
	_ =	sdelay $0x3  }
0x9d: {  	_ =	strace s11  }
0x9e: {  	s11 =	sld [smem:$0x3FFC];
	_ =	sdelay $0x3  }
0x9f: {  	_ =	strace s11  }
0xa0: {  	s11 =	sld [smem:$0x3FFD];
	_ =	sdelay $0x3  }
0xa1: {  	_ =	strace s11  }
0xa2: {  	_ =	strace $0x8FFFFFFF  }
0xa3: {  	s20 =	sld [smem:$0x3FDB];
	_ =	sdelay $0x1  }
0xa4: {  	s12 =	simm.s32 $_scs_section_size  }
0xa5: {  	s13 =	simm.s32 $_size__tile_overlayer_lowered;
	s14 =	simm.s32 $_tile_overlayer_lowered  }
0xa6: {  	s23 =	simm.s32 $0x1BFF;
	s22 =	sshll.u32 s14, $0x1;
	s11 =	sadd.s32 s12, s20  }
0xa7: {  	s21 =	sshll.u32 s13, $0x1;
	s15 =	simm.s32 $0x0;
	s13 =	sadd.s32 s22, s11  }
0xa8: {  	[timem:s15], [sflag:s23] =	dma.local [hbm:s13], s21  }
0xa9: {  	_ =	swait.ge [sflag:s23], s21  }
0xaa: {  	s12 =	ssub.s32 $0x0, s21;
	[sflag:s23] =	ssyncset.done $0x0  }
0xab: {  	[sflag:s23] =	ssyncadd.s32 s12;
	_ =	sdelay $0x1  }
0xac: {  	s24 =	simm.s32 $0x1B8B  }
0xad: {  	_ =	swait.ge [sflag:s24], $0x1  }
0xae: {  	[sflag:s24] =	ssyncset.done $0x0  }
0xaf: {  	s25 =	simm.s32 $0x1B8E;
	[sflag:s24] =	ssyncadd.s32 $0xFFFFFFFF  }
0xb0: {  	s26 =	simm.s32 $execute0_lowered;
	[smem:$0x3FD2] =	sst s25  }
0xb1: {  	s12 =	sshll.u32 s26, $0x1;
	_ =	strace $0x80000046;
	[dreg:$0x1] =	wrdreg $0xFFFFFFFF  }
0xb2: {  	s28 =	simm.s32 $_size_execute0_lowered;
	s11 =	sadd.s32 s11, s12;
	[dreg:$0x0] =	wrdreg $0x0  }
0xb3: {  	s12 =	sshll.u32 s28, $0x1;
	[dreg:$0x2] =	wrdreg s11  }
0xb4: {  	[dreg:$0x3] =	wrdreg s12  }
0xb5: {  	[dreg:$0x4] =	wrdreg $0xC0  }
0xb6: {  	_ =	task [dreg:s15], $0x5FFFF  }
0xb7: {  	[dreg:$0x1] =	wrdreg $0xFFFFFFFF  }
0xb8: {  	[dreg:$0x0] =	wrdreg $0x60  }
0xb9: {  	[dreg:$0x2] =	wrdreg s2  }
0xba: {  	[dreg:$0x3] =	wrdreg s16  }
0xbb: {  	[dreg:$0x4] =	wrdreg s5  }
0xbc: {  	[dreg:$0x5] =	wrdreg s6  }
0xbd: {  	[dreg:$0x6] =	wrdreg s7  }
0xbe: {  	[dreg:$0x7] =	wrdreg s17  }
0xbf: {  	[dreg:$0x8] =	wrdreg s18  }
0xc0: {  	[dreg:$0x9] =	wrdreg s10  }
0xc1: {  	[dreg:$0xa] =	wrdreg s19  }
0xc2: {  	[dreg:$0xb] =	wrdreg $0x52000  }
0xc3: {  	[dreg:$0xc] =	wrdreg $0x9  }
0xc4: {  	_ =	task.clear_ibuf [dreg:s15], $0xDFFFF;
	_ =	strace $0x90000046  }
0xc5: {  	s29 =	simm.s32 $0x9;
	_ =	strace $0x80000048  }
0xc6: {  	_ =	swait.ge [sflag:s29], $0x1  }
0xc7: {  	[sflag:s29] =	ssyncadd.s32 $0xFFFFFFFF  }
0xc8: {  	_ =	strace $0x90000048  }
0xc9: {  	_ =	sfence  }
0xca: {  	s30 =	sld [smem:$0x0];
	_ =	sdelay $0x2  }
0xcb: {  	s31 =	sshll.u32 s1, $0xD;
	s1 =	sshrl.u32 s1, $0x2  }
0xcc: {  	s3 =	sand.u32 $0x4000, s31;
	s1 =	sadd.s32 s1, s30  }
0xcd: {  	s0 =	sor.u32 s3, s0;
	s1 =	sshll.u32 s1, $0x11  }
0xce: {  	s0 =	sor.u32 s1, s0  }
0xcf: {  	s0 =	sadd.s32 $0x8F2B, s0  }
0xd0: {  	[sflag:s0] =	ssyncadd.remote.s32 $0x1  }
0xd1: {  	_ =	sfence.sel $0xFFFF  }
0xd2: {  	[dreg:$0x0] =	wrdreg $0xFFFFFFFF;
	(pc) =	sbr.abs _section_cstart, $3  }
0xd3: {  	[dreg:$0x1] =	wrdreg $0xFFFFFFFF  }
0xd4: {  	_ =	task.clear_ibuf [dreg:s15], $0x2FFFF;
	_ =	strace $0x9FFFFFFF  }
0xd5: {  	(tm) =	ssettm $0x7FFFFFFF  }
tec
execute0_lowered:
.L_overlay_start_1:
0x0: {  	(tag) =	ssettag $0x1  }
0x1: {  	s0 =	rddreg [dreg:$0x0]  }
0x2: {  	s1 =	rddreg [dreg:$0x1]  }
0x3: {  	s2 =	rddreg [dreg:$0x2]  }
0x4: {  	s6 =	rddreg [dreg:$0x3]  }
0x5: {  	s7 =	rddreg [dreg:$0x5]  }
0x6: {  	s8 =	rddreg [dreg:$0x6]  }
0x7: {  	s9 =	rddreg [dreg:$0x7]  }
0x8: {  	s3 =	srdreg.scid;
	s10 =	rddreg [dreg:$0x8]  }
0x9: {  	s17 =	stileid.u32;
	s4 =	simm.s32 $0x0;
	s18 =	simm.s32 $0x400  }
0xa: {  	s28 =	simm.s32 $0x3100;
	s29 =	simm.s32 $0x2A80;
	s30 =	simm.s32 $0x2C80  }
0xb: {  	s31 =	simm.s32 $0x2E80;
	s5 =	sand.u32 $0x1, s3;
	s3 =	rddreg [dreg:$0x9]  }
0xc: {  	s11 =	sshrl.u32 s17, $0x3;
	[smem:$0x7FF] =	sst s4;
	s14 =	sshll.u32 s17, $0x7  }
0xd: {  	s16 =	sand.u32 $0x7, s17;
	s12 =	sshll.u32 s5, $0x1;
	_ =	strace $0x80000047  }
0xe: {  	s5 =	ssub.s32 $0x2, s5;
	s14 =	sand.u32 $0x380, s14;
	s12 =	sor.u32 s11, s12  }
0xf: {  	s21 =	sshll.u32 s16, $0xA;
	s15 =	sshrl.u32 s5, $0x1;
	s13 =	smul.u32 $0x5000, s12  }
0x10: {  	s15 =	ssub.s32 s5, s15;
	s5 =	smul.u32 $0x9C4, s16;
	s24 =	sshll.u32 s12, $0x4  }
0x11: {  	p0 =	sne.s32 s16, $0x0;
	s22 =	smul.u32 $0x4E20, s12;
	s26 =	sadd.s32 s6, s24  }
0x12: {  	s19 =	sadd.s32 s8, s24;
	s20 =	sadd.s32 s9, s24;
	[dreg:$0xe] =	wrdreg s26  }
0x13: {  	s13 =	sor.u32 s14, s13;
	s14 =	sshll.u32 s11, $0x9;
	[dreg:$0xf] =	wrdreg s19  }
0x14: {  	[dreg:$0x10] =	wrdreg s20;
	s26 =	smax.u32 s15, $0x1;
	s9 =	sadd.s32 $0xF0, s5  }
0x15: {  	s19 =	simm.s32 $0x2;
	s20 =	simm.s32 $0xA00;
	s13 =	sshrl.u32 s13, $0x3  }
0x16: {  	[dreg:$0x13] =	wrdreg s26;
	s26 =	simm.s32 $0x3080;
	s0 =	sadd.s32 s0, s13  }
0x17: {  	s23 =	sadd.s32 s1, s13;
	s25 =	sadd.s32 s2, s13;
	[dreg:$0xb] =	wrdreg s0  }
0x18: {  	s2 =	sshll.u32 s17, $0x6;
	s13 =	sshll.u32 s16, $0x6;
	[dreg:$0xc] =	wrdreg s23  }
.Ltmp0:
0x19: {  	v0 =	vlaneseq.u32;
	s17 =	simm.s32 $0x80;
	[dreg:$0xd] =	wrdreg s25;
	(pc) =	sbr.rel .LBB2_1-.Ltmp0, $4  }
0x1a: {  	v3 =	vimm.f32 $-1.000000000e+00;
	vm0 =	vmmov $0x1;
	vm1 =	vcmask $0x308;
	s0 =	sadd.s32 s10, s24;
	s25 =	sshll.u32 s12, $0xD;
	s23 =	sshrl.u32 s2, $0x2  }
0x1b: {  	vm2 =	vcmask $0x70C;
	v4 =	vimm.s32 $0x0;
	v2 =	vmul.u32 $0xFFFFFFFF, v0;
	s24 =	simm.s32 $0x2800;
	[dreg:$0x11] =	wrdreg s0;
	s0 =	sadd.s32 s7, s21  }
0x1c: {  	vm3 =	vcmask $0x314;
	vm4 =	vcmask $0x714;
	vm5 =	vcmask $0xB14;
	s12 =	simm.s32 $0x1;
	s21 =	simm.s32 $0x1400;
	s0 =	sadd.s32 s25, s0  }
0x1d: {  	vm6 =	vcmask $0xF14;
	v2 =	vadd.s32 $0x9C4, v2;
	v1 =	vmov s22;
	s25 =	sshrl.u32 s14, $0x2;
	[dreg:$0x12] =	wrdreg s0;
	s0 =	simm.s32 $0x0  }
.LBB2_8:
0x1e: {  	s1 =	rddreg [dreg:$0xf];
	s2 =	simm.s32 $0x200  }
0x1f: {  	[hbm4b:s1+s17] =	stream.strided.scatter [tilespmem:s29], [sflag:$0x2], $0x200, s2, s17, $0x38;
	[tilespmem:$0x5220] =	vst v63  }
0x20: {  	_ =	swait.ge [sflag:s19], $0x200  }
0x21: {  	[sflag:s19] =	ssyncset.done $0x0  }
0x22: {  	s16 =	rddreg [dreg:$0x10];
	[sflag:s19] =	ssyncadd.s32 $0xFFFFFE00  }
0x23: {  	[hbm4b:s16+s17] =	stream.strided.scatter [tilespmem:s30], [sflag:$0x2], $0x200, s2, s17, $0x38;
	[tilespmem:$0x5220] =	vst v63  }
0x24: {  	_ =	swait.ge [sflag:s19], $0x200  }
0x25: {  	[sflag:s19] =	ssyncset.done $0x0  }
0x26: {  	s22 =	rddreg [dreg:$0x11];
	[sflag:s19] =	ssyncadd.s32 $0xFFFFFE00  }
0x27: {  	[hbm4b:s22+s17] =	stream.strided.scatter [tilespmem:s31], [sflag:$0x2], $0x200, s2, s17, $0x38;
	[tilespmem:$0x5220] =	vst v63  }
0x28: {  	_ =	swait.ge [sflag:s19], $0x200  }
0x29: {  	[sflag:s19] =	ssyncset.done $0x0  }
0x2a: {  	[sflag:s19] =	ssyncadd.s32 $0xFFFFFE00  }
.LBB2_9:
0x2b: {  	v5 =	vld [tilespmem:s13+$0x2800];
	_ =	sdelay $0x4  }
0x2c: {  	v5 =	vadd.s32 v1, v5  }
0x2d: {  	[tilespmem:$0x2A00] =	vst v5  }
0x2e: {  	v5 =	vld [tilespmem:s13+$0x2810];
	_ =	sdelay $0x4  }
0x2f: {  	v5 =	vadd.s32 v1, v5  }
0x30: {  	[tilespmem:$0x2A10] =	vst v5  }
0x31: {  	v5 =	vld [tilespmem:s13+$0x2820];
	_ =	sdelay $0x4  }
0x32: {  	v5 =	vadd.s32 v1, v5  }
0x33: {  	[tilespmem:$0x2A20] =	vst v5  }
0x34: {  	v5 =	vld [tilespmem:s13+$0x2830];
	_ =	sdelay $0x4  }
0x35: {  	s1 =	rddreg [dreg:$0x4];
	v5 =	vadd.s32 v1, v5  }
0x36: {  	s2 =	simm.s32 $0x40;
	s6 =	simm.s32 $0x2A00;
	s7 =	simm.s32 $0x3200;
	[tilespmem:$0x2A30] =	vst v5  }
0x37: {  	[tilespmem:s7], [sflag:$0x1] =	stream.indirect.gather [hbm4b:s1+s2], $0x80, s6, s2, $0xb8;
	[tilespmem:$0x5220] =	vst v63  }
0x38: {  	_ =	swait.ge [sflag:s12], $0x2000  }
0x39: {  	[sflag:s12] =	ssyncset.done $0x0  }
0x3a: {  	s16 =	rddreg [dreg:$0x12];
	[sflag:s12] =	ssyncadd.s32 $0xFFFFE000  }
0x3b: {  	[hbm4b:s16+s4] =	stream.linear.scatter [tilespmem:s7], [sflag:$0x2], $0x2000, $0x38;
	[tilespmem:$0x5220] =	vst v63  }
0x3c: {  	_ =	swait.ge [sflag:s19], $0x2000  }
0x3d: {  	s0 =	sadd.s32 $0x1, s0;
	s22 =	rddreg [dreg:$0x13]  }
0x3e: {  	p1 =	sne.s32 s0, s22  }
.Ltmp1:
0x3f: {  	_ = 	snop;
	(pc) =	sbr.rel @!p1 .LBB2_10-.Ltmp1, $3  }
0x40: {  	_ =	sdelay $0x1  }
0x41: {  	[sflag:s19] =	ssyncset.done $0x0  }
0x42: {  	[sflag:s19] =	ssyncadd.s32 $0xFFFFE000  }
.LBB2_1:
0x43: {  	s1 =	rddreg [dreg:$0xb]  }
0x44: {  	[tilespmem:s4], [sflag:$0x2] =	stream.strided.gather [hbm4b:s1+s17], $0xA00, s18, s17, $0x38;
	[tilespmem:$0x5220] =	vst v63  }
0x45: {  	_ =	swait.ge [sflag:s19], $0xA00  }
0x46: {  	[sflag:s19] =	ssyncset.done $0x0  }
0x47: {  	s11 =	rddreg [dreg:$0xc];
	[sflag:s19] =	ssyncadd.s32 $0xFFFFF600  }
0x48: {  	[tilespmem:s20], [sflag:$0x2] =	stream.strided.gather [hbm4b:s11+s17], $0xA00, s18, s17, $0x38;
	[tilespmem:$0x5220] =	vst v63  }
0x49: {  	_ =	swait.ge [sflag:s19], $0xA00  }
0x4a: {  	[sflag:s19] =	ssyncset.done $0x0  }
0x4b: {  	s14 =	rddreg [dreg:$0xd];
	[sflag:s19] =	ssyncadd.s32 $0xFFFFF600  }
0x4c: {  	[tilespmem:s21], [sflag:$0x2] =	stream.strided.gather [hbm4b:s14+s17], $0xA00, s18, s17, $0x38;
	[tilespmem:$0x5220] =	vst v63  }
0x4d: {  	s2 =	simm.s32 $0x3180;
	_ =	swait.ge [sflag:s19], $0xA00  }
0x4e: {  	s16 =	simm.s32 $0x10;
	s22 =	simm.s32 $0x20;
	[sflag:s19] =	ssyncset.done $0x0  }
0x4f: {  	s6 =	simm.s32 $0x30;
	s15 =	rddreg [dreg:$0xe];
	[sflag:s19] =	ssyncadd.s32 $0xFFFFF600  }
0x50: {  	v5 =	vmov s4;
	[tilespmem:s2], [sflag:$0x2] =	stream.linear.gather [hbm4b:s15+s4], $0x80, $0x38;
	[tilespmem:$0x5220] =	vst v63  }
0x51: {  	v6 =	vmov s16;
	v7 =	vmov s22;
	v8 =	vmov s6;
	_ =	swait.ge [sflag:s19], $0x80  }
0x52: {  	s7 =	simm.s32 $0x1E20;
	s1 =	simm.s32 $0x1E20;
	vm7 =	vlt.u32 v6, v2;
	vm8 =	vlt.u32 v7, v2;
	vm9 =	vlt.u32 v8, v2;
	[sflag:s19] =	ssyncset.done $0x0  }
0x53: {  	s6 =	simm.s32 $0x0;
	v7 =	vsel vm7, $0x501502F9, v3;
	v6 =	vsel vm8, $0x501502F9, v3;
	v8 =	vsel vm9, $0x501502F9, v3;
	s2 =	simm.s32 $0x0;
	[sflag:s19] =	ssyncadd.s32 $0xFFFFFF80  }
.LBB2_2:
0x54: {  	s2 =	sadd.s32 $0x4, s2  }
0x55: {  	vm7 =	vlt.u32 v5, v2;
	[tilespmem:s1+$0x10] =	vst v8;
	s6 =	sadd.s32 $0x40, s6;
	s7 =	sadd.s32 $0x40, s7;
	p1 =	slt.u32 s2, $0x9C  }
.Ltmp2:
0x56: {  	v8 =	vsel vm7, $0x501502F9, v3;
	[tilespmem:s1+$0xFFFFFFF0] =	vst v7;
	(pc) =	sbr.rel @p1 .LBB2_2-.Ltmp2, $4  }
0x57: {  	v5 =	vmov s6;
	s8 =	sadd.s32 $0x10, s6;
	s10 =	sadd.s32 $0x20, s6;
	s16 =	sadd.s32 $0x30, s6;
	[tilespmem:s1+$0xFFFFFFE0] =	vst v8  }
0x58: {  	v7 =	vmov s8;
	v8 =	vmov s10;
	v9 =	vmov s16;
	[tilespmem:s1+$0x0] =	vst v6;
	s1 =	smov.u32 s7  }
0x59: {  	vm7 =	vlt.u32 v7, v2;
	vm8 =	vlt.u32 v8, v2;
	vm9 =	vlt.u32 v9, v2  }
0x5a: {  	v7 =	vsel vm7, $0x501502F9, v3;
	v6 =	vsel vm8, $0x501502F9, v3;
	v8 =	vsel vm9, $0x501502F9, v3  }
0x5b: {  	[tilespmem:s1+$0x10] =	vst v8  }
0x5c: {  	vm7 =	vlt.u32 v5, v2;
	[tilespmem:s1+$0xFFFFFFF0] =	vst v7  }
0x5d: {  	[tilespmem:s1+$0x0] =	vst v6;
	v5 =	vsel vm7, $0x501502F9, v3  }
0x5e: {  	[tilespmem:s1+$0xFFFFFFE0] =	vst v5  }
0x5f: {  	v5 =	vld [tilespmem:$0x3180];
	_ =	sdelay $0x4  }
0x60: {  	v6 =	vnsel vm0, $0xBF800000, v5  }
0x61: {  	(xrf0) =	vmax.scan.msk.f32 $0xffff, v6;
	v6 =	vsel vm1, $0xBF800000, v5  }
0x62: {  	v5 =	vsel vm2, $0xBF800000, v5;
	(xrf0) =	vmax.scan.msk.f32 $0xffff, v6  }
0x63: {  	(xrf0) =	vmax.scan.msk.f32 $0xffff, v5;
	_ =	sdelay $0x3  }
0x64: {  	v5, _, _ =	vpop (xrf0)  }
0x65: {  	v6, _, _ =	vpop (xrf0);
	(v2sf) =	vpush v5, $0xF  }
0x66: {  	(v2sf) =	vpush v6, $0xF;
	v7, _, _ =	vpop (xrf0)  }
0x67: {  	(v2sf) =	vpush v7, $0xF;
	_ =	sdelay $0x7  }
0x68: {  	v8 =	vimm.s32 @!p0 $0x0;
	_ =	sdelay $0x2  }
.Ltmp3:
0x69: {  	v5 =	vbroadcast @!p0 v5, $0xF;
	(pc) =	sbr.rel .LBB2_4-.Ltmp3, $4  }
0x6a: {  	s2 =	simm.s32 @!p0 $0x2A80;
	[tilespmem:v4+s24+$0x0] =	vst.idx.msk $0x1, v4;
	v6 =	vbroadcast @!p0 v6, $0xF  }
0x6b: {  	[tilespmem:v8+s2+$0x0] =	vst.idx.msk @!p0 $0x1, v5;
	s2 =	simm.s32 @!p0 $0x2C80;
	v5 =	vbroadcast @!p0 v7, $0xF;
	s1 =	spop (v2sf)  }
0x6c: {  	[tilespmem:v8+s2+$0x0] =	vst.idx.msk @!p0 $0x1, v6;
	s2 =	simm.s32 @!p0 $0x2E80;
	s7 =	spop (v2sf)  }
0x6d: {  	s22 =	simm.s32 $0x1;
	[tilespmem:v8+s2+$0x0] =	vst.idx.msk @!p0 $0x1, v5;
	s8 =	spop (v2sf)  }
.LBB2_7:
0x6e: {  	s22 =	sadd.s32 $0x1, s22  }
0x6f: {  	p1 =	seq.s32 s22, $0x200  }
.Ltmp4:
0x70: {  	v6 =	vbroadcast v6, $0xF;
	(pc) =	sbr.rel @p1 .LBB2_8-.Ltmp4, $4  }
0x71: {  	v7 =	vbroadcast v7, $0xF  }
0x72: {  	[tilespmem:v5+s29+$0x0] =	vst.idx.msk $0x1, v6;
	v6 =	vbroadcast v8, $0xF  }
0x73: {  	[tilespmem:v5+s30+$0x0] =	vst.idx.msk $0x1, v7  }
0x74: {  	[tilespmem:v5+s31+$0x0] =	vst.idx.msk $0x1, v6  }
.LBB2_4:
0x75: {  	s6 =	simm.s32 $0xA80  }
0x76: {  	s10 =	simm.s32 $0x80;
	v8 =	vld [tilespmem:s6+$0xFFFFFFC0]  }
0x77: {  	v7 =	vld [tilespmem:s10+$0xFFFFFF80]  }
0x78: {  	v9 =	vld [tilespmem:s6+$0xFFFFFF80]  }
0x79: {  	s2 =	simm.s32 $0x1480;
	v10 =	vld [tilespmem:s10+$0xFFFFFFC0]  }
0x7a: {  	v11 =	vld [tilespmem:s2+$0xFFFFFF80]  }
0x7b: {  	v12 =	vld [tilespmem:s2+$0xFFFFFFC0]  }
0x7c: {  	v5 =	vmov s1;
	v6 =	vmov s7;
	v15 =	vld [tilespmem:s10+$0x0]  }
0x7d: {  	v14 =	vld [tilespmem:s6+$0x0];
	v13 =	vsub.f32 v7, v5;
	v9 =	vsub.f32 v9, v6  }
0x7e: {  	s1 =	simm.s32 $0x1E80;
	v7 =	vmov s8;
	v8 =	vsub.f32 v8, v6;
	v10 =	vsub.f32 v10, v5  }
0x7f: {  	v16 =	vld [tilespmem:s1+$0xFFFFFF80];
	v11 =	vsub.f32 v11, v7;
	v13 =	vmul.f32 v13, v13;
	v9 =	vmul.f32 v9, v9  }
0x80: {  	v17 =	vld [tilespmem:s2+$0x0];
	v12 =	vsub.f32 v12, v7;
	v10 =	vmul.f32 v10, v10;
	v8 =	vmul.f32 v8, v8  }
0x81: {  	v15 =	vsub.f32 v15, v5;
	v11 =	vmul.f32 v11, v11;
	v9 =	vadd.f32 v9, v13  }
0x82: {  	v13 =	vld [tilespmem:s1+$0xFFFFFFC0];
	v8 =	vadd.f32 v8, v10;
	v10 =	vmul.f32 v12, v12;
	v12 =	vsub.f32 v14, v6  }
0x83: {  	s11 =	sadd.s32 $0xFFFFFF10, s9;
	v18 =	vld [tilespmem:s10+$0x40];
	v11 =	vadd.f32 v11, v9  }
0x84: {  	v19 =	vadd.s32 s11, v0;
	v20 =	vld [tilespmem:s1+$0x0];
	v15 =	vmul.f32 v15, v15;
	v12 =	vmul.f32 v12, v12  }
0x85: {  	v17 =	vsub.f32 v17, v7;
	v14 =	vld [tilespmem:s2+$0x40];
	v10 =	vadd.f32 v10, v8;
	v11 =	vmin.f32 v16, v11  }
0x86: {  	v9 =	vimm.f32 $-3.000000010e+38;
	v8 =	vimm.s32 $0x0;
	v16 =	vld [tilespmem:s6+$0x40];
	v12 =	vadd.f32 v12, v15;
	[tilespmem:s1+$0xFFFFFF80] =	vst v11  }
0x87: {  	v15 =	vmul.f32 v17, v17;
	vm7 =	vgt.f32 v11, v9;
	v10 =	vmin.f32 v13, v10;
	v13 =	vld [tilespmem:s2+$0xFFFFFF90]  }
0x88: {  	s14 =	sadd.s32 $0xFFFFFF50, s9;
	v17 =	vsel vm7, v19, v8;
	v19 =	vld [tilespmem:s10+$0xFFFFFF90]  }
0x89: {  	v21 =	vadd.s32 s14, v0;
	v11 =	vsel vm7, v11, v9;
	[tilespmem:s1+$0xFFFFFFC0] =	vst v10;
	v12 =	vadd.f32 v15, v12;
	v15 =	vld [tilespmem:s6+$0xFFFFFF90]  }
0x8a: {  	v18 =	vsub.f32 v18, v5;
	v14 =	vsub.f32 v14, v7;
	v22 =	vld [tilespmem:s6+$0xFFFFFFD0];
	vm7 =	vgt.f32 v10, v11  }
0x8b: {  	v10 =	vsel vm7, v10, v11;
	v11 =	vsel vm7, v21, v17;
	v17 =	vld [tilespmem:s10+$0xFFFFFFD0];
	v16 =	vsub.f32 v16, v6  }
0x8c: {  	v18 =	vmul.f32 v18, v18;
	v24 =	vld [tilespmem:s2+$0xFFFFFFD0];
	v12 =	vmin.f32 v20, v12  }
0x8d: {  	v14 =	vmul.f32 v14, v14;
	v20 =	vld [tilespmem:s1+$0x40];
	[tilespmem:s1+$0x0] =	vst v12;
	v16 =	vmul.f32 v16, v16;
	v19 =	vsub.f32 v19, v5  }
0x8e: {  	vm7 =	vgt.f32 v12, v10;
	v25 =	vld [tilespmem:s10+$0x10];
	v13 =	vsub.f32 v13, v7;
	v15 =	vsub.f32 v15, v6  }
0x8f: {  	v12 =	vsel vm7, v12, v10;
	v22 =	vsub.f32 v22, v6;
	v16 =	vadd.f32 v16, v18  }
0x90: {  	v18 =	vld [tilespmem:s6+$0x10];
	v17 =	vsub.f32 v17, v5;
	v10 =	vmul.f32 v19, v19;
	v15 =	vmul.f32 v15, v15  }
0x91: {  	v24 =	vsub.f32 v24, v7;
	v13 =	vmul.f32 v13, v13;
	v19 =	vld [tilespmem:s1+$0xFFFFFF90];
	v14 =	vadd.f32 v14, v16  }
0x92: {  	s16 =	sadd.s32 $0xFFFFFF90, s9;
	v22 =	vmul.f32 v22, v22;
	v16 =	vld [tilespmem:s2+$0x10];
	v17 =	vmul.f32 v17, v17;
	v10 =	vadd.f32 v15, v10  }
0x93: {  	v23 =	vadd.s32 s16, v0;
	v15 =	vld [tilespmem:s1+$0xFFFFFFD0];
	v14 =	vmin.f32 v20, v14;
	v20 =	vsub.f32 v25, v5  }
0x94: {  	s15 =	sadd.s32 $0xFFFFFFD0, s9;
	v17 =	vadd.f32 v22, v17;
	v22 =	vmul.f32 v24, v24;
	v10 =	vadd.f32 v13, v10  }
0x95: {  	v21 =	vadd.s32 s15, v0;
	v11 =	vsel vm7, v23, v11;
	v24 =	vld [tilespmem:s1+$0x10];
	[tilespmem:s1+$0x40] =	vst v14;
	v18 =	vsub.f32 v18, v6  }
0x96: {  	v13 =	vmul.f32 v20, v20;
	v20 =	vld [tilespmem:s10+$0x50];
	v17 =	vadd.f32 v22, v17;
	v19 =	vmin.f32 v19, v10  }
0x97: {  	vm7 =	vgt.f32 v14, v12;
	v22 =	vld [tilespmem:s6+$0x50];
	v16 =	vsub.f32 v16, v7;
	v18 =	vmul.f32 v18, v18;
	[tilespmem:s1+$0xFFFFFF90] =	vst v19  }
0x98: {  	v10 =	vsel vm7, v21, v11;
	v11 =	vsel vm7, v14, v12;
	v12 =	vmin.f32 v15, v17;
	v17 =	vld [tilespmem:s10+$0xFFFFFFA0]  }
0x99: {  	s15 =	sadd.s32 $0xFFFFFF20, s9;
	vm7 =	vgt.f32 v19, v9;
	v14 =	vadd.f32 v18, v13;
	v15 =	vmul.f32 v16, v16;
	v16 =	vld [tilespmem:s2+$0x50]  }
0x9a: {  	s11 =	sadd.s32 $0xFFFFFFE0, s9;
	v27 =	vadd.s32 s15, v0;
	v19 =	vsel vm7, v19, v9;
	v21 =	vld [tilespmem:s2+$0xFFFFFFA0]  }
0x9b: {  	v23 =	vld [tilespmem:s1+$0x50];
	v25 =	vadd.s32 s11, v0;
	[tilespmem:s1+$0xFFFFFFD0] =	vst v12;
	vm8 =	vgt.f32 v12, v19;
	v14 =	vadd.f32 v15, v14  }
0x9c: {  	s14 =	sadd.s32 $0xFFFFFFA0, s9;
	s8 =	sadd.s32 $0xFFFFFFB0, s9;
	v12 =	vsel vm8, v12, v19;
	v19 =	vld [tilespmem:s10+$0xFFFFFFE0];
	v15 =	vsub.f32 v20, v5;
	v22 =	vsub.f32 v22, v6  }
0x9d: {  	v26 =	vld [tilespmem:s6+$0xFFFFFFA0];
	v18 =	vadd.s32 s8, v0;
	v14 =	vmin.f32 v24, v14;
	v24 =	vadd.s32 s14, v0  }
0x9e: {  	v20 =	vld [tilespmem:s2+$0xFFFFFFE0];
	v15 =	vmul.f32 v15, v15;
	v22 =	vmul.f32 v22, v22;
	v16 =	vsub.f32 v16, v7  }
0x9f: {  	v29 =	vld [tilespmem:s6+$0xFFFFFFE0];
	v17 =	vsub.f32 v17, v5;
	v21 =	vsub.f32 v21, v7;
	[tilespmem:s1+$0x10] =	vst v14;
	vm9 =	vgt.f32 v14, v12  }
0xa0: {  	s16 =	sadd.s32 $0xFFFFFF60, s9;
	v28 =	vld [tilespmem:s10+$0x20];
	v14 =	vsel vm9, v14, v12;
	v12 =	vadd.f32 v22, v15;
	v15 =	vmul.f32 v16, v16  }
0xa1: {  	v22 =	vadd.s32 s16, v0;
	v19 =	vsub.f32 v19, v5;
	v16 =	vsel vm7, v27, v8;
	v27 =	vld [tilespmem:s6+$0x20]  }
0xa2: {  	v16 =	vsel vm8, v22, v16;
	v22 =	vld [tilespmem:s2+$0x20];
	v12 =	vadd.f32 v15, v12;
	v15 =	vsub.f32 v26, v6  }
0xa3: {  	v17 =	vmul.f32 v17, v17;
	v20 =	vsub.f32 v20, v7;
	v19 =	vmul.f32 v19, v19  }
0xa4: {  	v30 =	vld [tilespmem:s1+$0xFFFFFFE0];
	v16 =	vsel vm9, v24, v16;
	v23 =	vmin.f32 v23, v12;
	v12 =	vmul.f32 v15, v15  }
0xa5: {  	v15 =	vmul.f32 v21, v21;
	v21 =	vld [tilespmem:s1+$0xFFFFFFA0];
	v26 =	vsub.f32 v28, v5;
	v28 =	vsub.f32 v29, v6;
	[tilespmem:s1+$0x50] =	vst v23  }
0xa6: {  	v20 =	vmul.f32 v20, v20;
	v27 =	vsub.f32 v27, v6;
	v29 =	vld [tilespmem:s10+$0x60];
	v12 =	vadd.f32 v12, v17  }
0xa7: {  	v17 =	vsub.f32 v22, v7;
	v22 =	vmul.f32 v26, v26;
	v26 =	vld [tilespmem:s6+$0x60];
	v28 =	vmul.f32 v28, v28  }
0xa8: {  	v24 =	vld [tilespmem:s1+$0x20];
	vm7 =	vgt.f32 v23, v14;
	v27 =	vmul.f32 v27, v27;
	v15 =	vadd.f32 v15, v12  }
0xa9: {  	v14 =	vsel vm7, v23, v14;
	v12 =	vsel vm7, v25, v16;
	v16 =	vld [tilespmem:s2+$0x60];
	v19 =	vadd.f32 v28, v19  }
0xaa: {  	s8 =	sadd.s32 $0xFFFFFF70, s9;
	v17 =	vmul.f32 v17, v17;
	v22 =	vadd.f32 v27, v22;
	v15 =	vmin.f32 v21, v15  }
0xab: {  	v21 =	vadd.s32 s8, v0;
	v19 =	vadd.f32 v20, v19;
	v20 =	vld [tilespmem:s1+$0x60];
	v23 =	vsub.f32 v29, v5;
	[tilespmem:s1+$0xFFFFFFA0] =	vst v15  }
0xac: {  	vm7 =	vgt.f32 v15, v9;
	v17 =	vadd.f32 v17, v22;
	v25 =	vsub.f32 v26, v6;
	v22 =	vld [tilespmem:s10+$0xFFFFFFB0]  }
0xad: {  	s11 =	sadd.s32 $0xFFFFFF30, s9;
	v15 =	vsel vm7, v15, v9;
	v26 =	vld [tilespmem:s6+$0xFFFFFFB0];
	v19 =	vmin.f32 v30, v19;
	v23 =	vmul.f32 v23, v23  }
0xae: {  	v27 =	vld [tilespmem:s2+$0xFFFFFFB0];
	v17 =	vmin.f32 v24, v17;
	v16 =	vsub.f32 v16, v7;
	v24 =	vadd.s32 s11, v0;
	[tilespmem:s1+$0xFFFFFFE0] =	vst v19  }
0xaf: {  	vm8 =	vgt.f32 v19, v15;
	v25 =	vmul.f32 v25, v25;
	v24 =	vsel vm7, v24, v8;
	v28 =	vld [tilespmem:s2+$0xFFFFFFF0]  }
0xb0: {  	v13 =	vadd.s32 s9, v0;
	v19 =	vsel vm8, v19, v15;
	v15 =	vsel vm8, v21, v24;
	v21 =	vld [tilespmem:s6+$0xFFFFFFF0]  }
0xb1: {  	[tilespmem:s1+$0x20] =	vst v17;
	v29 =	vmul.f32 v16, v16;
	vm7 =	vgt.f32 v17, v19;
	v23 =	vadd.f32 v25, v23;
	v24 =	vld [tilespmem:s10+$0xFFFFFFF0]  }
0xb2: {  	s14 =	sadd.s32 $0xFFFFFFC0, s9;
	v32 =	vld [tilespmem:s6+$0x30];
	v15 =	vsel vm7, v18, v15;
	v16 =	vsel vm7, v17, v19;
	v22 =	vsub.f32 v22, v5  }
0xb3: {  	s15 =	sadd.s32 $0xFFFFFF40, s9;
	s16 =	sadd.s32 $0xFFFFFF80, s9;
	v17 =	vadd.s32 s14, v0;
	v25 =	vsub.f32 v26, v6;
	v26 =	vld [tilespmem:s10+$0x30];
	v23 =	vadd.f32 v29, v23  }
0xb4: {  	v19 =	vadd.s32 s15, v0;
	v18 =	vadd.s32 s16, v0;
	v27 =	vsub.f32 v27, v7  }
0xb5: {  	v33 =	vld [tilespmem:s2+$0x30];
	v29 =	vmul.f32 v22, v22;
	v25 =	vmul.f32 v25, v25;
	v20 =	vmin.f32 v20, v23  }
0xb6: {  	s16 =	sadd.s32 $0xFFFFFFF0, s9;
	v22 =	vld [tilespmem:s1+$0xFFFFFFB0];
	v27 =	vmul.f32 v27, v27;
	v28 =	vsub.f32 v28, v7;
	v23 =	vsub.f32 v21, v6;
	[tilespmem:s1+$0x60] =	vst v20  }
0xb7: {  	v21 =	vadd.s32 s16, v0;
	v31 =	vsub.f32 v24, v5;
	v29 =	vadd.f32 v25, v29;
	v25 =	vld [tilespmem:s2+$0x70]  }
0xb8: {  	vm7 =	vgt.f32 v20, v16;
	v32 =	vsub.f32 v32, v6;
	v24 =	vld [tilespmem:s10+$0x70];
	v34 =	vsub.f32 v26, v5  }
0xb9: {  	s7 =	simm.s32 $0x1580;
	s8 =	simm.s32 $0x1F80;
	v30 =	vmul.f32 v23, v23;
	v31 =	vmul.f32 v31, v31;
	v26 =	vadd.f32 v27, v29;
	v27 =	vld [tilespmem:s6+$0x70]  }
0xba: {  	v33 =	vsub.f32 v33, v7;
	s16 =	smov.u32 s9;
	s2 =	simm.s32 $0x0;
	v28 =	vmul.f32 v28, v28;
	v23 =	vld [tilespmem:s1+$0xFFFFFFF0];
	s6 =	simm.s32 $0xB80;
	v29 =	vmul.f32 v34, v34  }
.LBB2_5:
0xbb: {  	s2 =	sadd.s32 $0x4, s2;
	v30 =	vadd.f32 v30, v31;
	v31 =	vmul.f32 v32, v32;
	v15 =	vsel vm7, v21, v15;
	v21 =	vld [tilespmem:s1+$0x70];
	s16 =	sadd.s32 $0x100, s16;
	s10 =	sadd.s32 $0x100, s10  }
0xbc: {  	v16 =	vsel vm7, v20, v16;
	p1 =	slt.u32 s2, $0x24;
	v32 =	vmul.f32 v33, v33;
	v33 =	vld [tilespmem:s1+$0x30];
	v20 =	vsub.f32 v25, v7  }
0xbd: {  	v22 =	vmin.f32 v22, v26;
	v25 =	vld [tilespmem:s6+$0xFFFFFFC0];
	v26 =	vadd.f32 v28, v30;
	v28 =	vadd.f32 v31, v29  }
0xbe: {  	vm7 =	vgt.f32 v22, v9;
	v24 =	vsub.f32 v24, v5;
	v29 =	vld [tilespmem:s10+$0xFFFFFF80];
	[tilespmem:s1+$0xFFFFFFB0] =	vst v22;
	v27 =	vsub.f32 v27, v6  }
0xbf: {  	v9 =	vsel vm7, v22, v9;
	v30 =	vld [tilespmem:s6+$0xFFFFFF80];
	v22 =	vmin.f32 v23, v26;
	v23 =	vadd.f32 v32, v28  }
0xc0: {  	v24 =	vmul.f32 v24, v24;
	v26 =	vld [tilespmem:s10+$0xFFFFFFC0];
	[tilespmem:s1+$0xFFFFFFF0] =	vst v22;
	vm8 =	vgt.f32 v22, v9;
	v27 =	vmul.f32 v27, v27  }
0xc1: {  	v20 =	vmul.f32 v20, v20;
	v28 =	vld [tilespmem:s7+$0xFFFFFF80];
	v9 =	vsel vm8, v22, v9;
	v22 =	vmin.f32 v33, v23  }
0xc2: {  	v8 =	vsel vm7, v19, v8;
	v23 =	vsub.f32 v25, v6;
	v25 =	vld [tilespmem:s7+$0xFFFFFFC0];
	[tilespmem:s1+$0x30] =	vst v22;
	vm7 =	vgt.f32 v22, v9  }
0xc3: {  	v8 =	vsel vm8, v18, v8;
	v18 =	vadd.f32 v27, v24;
	v19 =	vsub.f32 v29, v5  }
0xc4: {  	s14 =	sadd.s32 $0xFFFFFF10, s16;
	v8 =	vsel vm7, v17, v8;
	v9 =	vsel vm7, v22, v9;
	v24 =	vsub.f32 v30, v6;
	v27 =	vld [tilespmem:s7+$0x0]  }
0xc5: {  	v17 =	vadd.s32 s14, v0;
	v18 =	vadd.f32 v20, v18;
	v22 =	vsub.f32 v26, v5;
	v26 =	vld [tilespmem:s6+$0x0]  }
0xc6: {  	v19 =	vmul.f32 v19, v19;
	v20 =	vsub.f32 v28, v7;
	v24 =	vmul.f32 v24, v24;
	v28 =	vld [tilespmem:s10+$0x0]  }
0xc7: {  	v23 =	vmul.f32 v23, v23;
	v29 =	vld [tilespmem:s8+$0xFFFFFF80];
	v25 =	vsub.f32 v25, v7;
	v22 =	vmul.f32 v22, v22  }
0xc8: {  	v18 =	vmin.f32 v21, v18;
	v19 =	vadd.f32 v24, v19;
	v20 =	vmul.f32 v20, v20;
	v24 =	vld [tilespmem:s8+$0xFFFFFFC0]  }
0xc9: {  	vm7 =	vgt.f32 v18, v9;
	v21 =	vadd.f32 v23, v22;
	v22 =	vmul.f32 v25, v25;
	[tilespmem:s1+$0x70] =	vst v18;
	s1 =	smov.u32 s8  }
0xca: {  	v8 =	vsel vm7, v13, v8;
	v19 =	vadd.f32 v20, v19;
	v20 =	vsub.f32 v26, v6;
	v23 =	vld [tilespmem:s7+$0x40]  }
0xcb: {  	v9 =	vsel vm7, v18, v9;
	v13 =	vadd.f32 v22, v21;
	v21 =	vsub.f32 v28, v5;
	v22 =	vld [tilespmem:s8+$0x0]  }
0xcc: {  	v18 =	vmin.f32 v29, v19;
	v19 =	vsub.f32 v27, v7;
	v20 =	vmul.f32 v20, v20;
	v25 =	vld [tilespmem:s6+$0x40]  }
0xcd: {  	[tilespmem:s8+$0xFFFFFF80] =	vst v18;
	vm7 =	vgt.f32 v18, v11;
	v13 =	vmin.f32 v24, v13;
	v21 =	vmul.f32 v21, v21;
	v24 =	vld [tilespmem:s10+$0x40]  }
0xce: {  	v10 =	vsel vm7, v17, v10;
	v11 =	vsel vm7, v18, v11;
	v17 =	vld [tilespmem:s7+$0xFFFFFF90];
	[tilespmem:s8+$0xFFFFFFC0] =	vst v13  }
0xcf: {  	s14 =	sadd.s32 $0xFFFFFF50, s16;
	v19 =	vmul.f32 v19, v19;
	v18 =	vld [tilespmem:s10+$0xFFFFFF90];
	v20 =	vadd.f32 v20, v21;
	v21 =	vsub.f32 v23, v7  }
0xd0: {  	v23 =	vadd.s32 s14, v0;
	vm7 =	vgt.f32 v13, v11;
	v26 =	vld [tilespmem:s6+$0xFFFFFFD0]  }
0xd1: {  	s14 =	sadd.s32 $0xFFFFFFD0, s16;
	v11 =	vsel vm7, v13, v11;
	v27 =	vld [tilespmem:s6+$0xFFFFFF90];
	v13 =	vadd.f32 v19, v20;
	v19 =	vsub.f32 v25, v6  }
0xd2: {  	s15 =	sadd.s32 $0xFFFFFF90, s16;
	v10 =	vsel vm7, v23, v10;
	v20 =	vld [tilespmem:s10+$0xFFFFFFD0];
	v23 =	vsub.f32 v24, v5;
	v24 =	vadd.s32 s14, v0  }
0xd3: {  	v13 =	vmin.f32 v22, v13;
	v22 =	vadd.s32 s15, v0;
	v19 =	vmul.f32 v19, v19;
	v25 =	vld [tilespmem:s8+$0x40]  }
0xd4: {  	v18 =	vsub.f32 v18, v5;
	v28 =	vld [tilespmem:s7+$0xFFFFFFD0];
	[tilespmem:s8+$0x0] =	vst v13;
	vm7 =	vgt.f32 v13, v11;
	v23 =	vmul.f32 v23, v23  }
0xd5: {  	v17 =	vsub.f32 v17, v7;
	v26 =	vsub.f32 v26, v6;
	v11 =	vsel vm7, v13, v11;
	v13 =	vld [tilespmem:s10+$0x10]  }
0xd6: {  	v21 =	vmul.f32 v21, v21;
	v27 =	vsub.f32 v27, v6;
	v29 =	vld [tilespmem:s6+$0x10];
	v19 =	vadd.f32 v19, v23  }
0xd7: {  	v17 =	vmul.f32 v17, v17;
	v20 =	vsub.f32 v20, v5;
	v23 =	vmul.f32 v26, v26  }
0xd8: {  	v18 =	vmul.f32 v18, v18;
	v26 =	vmul.f32 v27, v27;
	v27 =	vld [tilespmem:s7+$0x10];
	v19 =	vadd.f32 v21, v19  }
0xd9: {  	v10 =	vsel vm7, v22, v10;
	v21 =	vld [tilespmem:s8+$0xFFFFFF90];
	v28 =	vsub.f32 v28, v7;
	v20 =	vmul.f32 v20, v20  }
0xda: {  	v18 =	vadd.f32 v26, v18;
	v22 =	vld [tilespmem:s8+$0xFFFFFFD0];
	v13 =	vsub.f32 v13, v5;
	v19 =	vmin.f32 v25, v19  }
0xdb: {  	v20 =	vadd.f32 v23, v20;
	v23 =	vmul.f32 v28, v28;
	v25 =	vsub.f32 v29, v6;
	[tilespmem:s8+$0x40] =	vst v19;
	v26 =	vld [tilespmem:s8+$0x50]  }
0xdc: {  	vm7 =	vgt.f32 v19, v11;
	v17 =	vadd.f32 v17, v18;
	v13 =	vmul.f32 v13, v13;
	v18 =	vld [tilespmem:s10+$0x50]  }
0xdd: {  	v20 =	vadd.f32 v23, v20;
	v23 =	vsub.f32 v27, v7;
	v25 =	vmul.f32 v25, v25;
	v27 =	vld [tilespmem:s6+$0x50]  }
0xde: {  	v10 =	vsel vm7, v24, v10;
	v11 =	vsel vm7, v19, v11;
	v17 =	vmin.f32 v21, v17;
	v21 =	vld [tilespmem:s8+$0x10]  }
0xdf: {  	s14 =	sadd.s32 $0xFFFFFFB0, s16;
	[tilespmem:s8+$0xFFFFFF90] =	vst v17;
	v19 =	vmin.f32 v22, v20;
	v20 =	vadd.f32 v25, v13;
	v22 =	vmul.f32 v23, v23;
	v23 =	vld [tilespmem:s7+$0x50]  }
0xe0: {  	vm7 =	vgt.f32 v17, v14;
	v25 =	vadd.s32 s14, v0;
	v13 =	vadd.s32 s16, v0;
	v24 =	vld [tilespmem:s10+$0xFFFFFFA0];
	[tilespmem:s8+$0xFFFFFFD0] =	vst v19  }
0xe1: {  	s14 =	sadd.s32 $0xFFFFFFE0, s16;
	v14 =	vsel vm7, v17, v14;
	v17 =	vld [tilespmem:s7+$0xFFFFFFA0];
	v20 =	vadd.f32 v22, v20;
	v18 =	vsub.f32 v18, v5  }
0xe2: {  	s15 =	sadd.s32 $0xFFFFFFA0, s16;
	v28 =	vadd.s32 s14, v0;
	vm8 =	vgt.f32 v19, v14;
	v22 =	vld [tilespmem:s7+$0xFFFFFFE0];
	v27 =	vsub.f32 v27, v6  }
0xe3: {  	v14 =	vsel vm8, v19, v14;
	v19 =	vld [tilespmem:s10+$0xFFFFFFE0];
	v20 =	vmin.f32 v21, v20;
	v21 =	vadd.s32 s15, v0  }
0xe4: {  	s14 =	sadd.s32 $0xFFFFFF20, s16;
	v18 =	vmul.f32 v18, v18;
	v29 =	vld [tilespmem:s6+$0xFFFFFFA0];
	[tilespmem:s8+$0x10] =	vst v20;
	v23 =	vsub.f32 v23, v7;
	v27 =	vmul.f32 v27, v27  }
0xe5: {  	v30 =	vadd.s32 s14, v0;
	vm9 =	vgt.f32 v20, v14;
	v24 =	vsub.f32 v24, v5;
	v31 =	vld [tilespmem:s10+$0x20]  }
0xe6: {  	s14 =	sadd.s32 $0xFFFFFF60, s16;
	v14 =	vsel vm9, v20, v14;
	v32 =	vld [tilespmem:s6+$0xFFFFFFE0];
	v18 =	vadd.f32 v27, v18;
	v20 =	vmul.f32 v23, v23  }
0xe7: {  	v12 =	vsel vm7, v30, v12;
	v23 =	vmul.f32 v24, v24;
	v24 =	vadd.s32 s14, v0;
	v27 =	vld [tilespmem:s6+$0x20]  }
0xe8: {  	v12 =	vsel vm8, v24, v12;
	v19 =	vsub.f32 v19, v5;
	v24 =	vld [tilespmem:s7+$0x20];
	v18 =	vadd.f32 v20, v18  }
0xe9: {  	v17 =	vsub.f32 v17, v7;
	v20 =	vsub.f32 v29, v6;
	v12 =	vsel vm9, v21, v12  }
0xea: {  	v21 =	vsub.f32 v22, v7;
	v19 =	vmul.f32 v19, v19;
	v22 =	vld [tilespmem:s8+$0x20];
	v18 =	vmin.f32 v26, v18  }
0xeb: {  	v17 =	vmul.f32 v17, v17;
	v29 =	vsub.f32 v31, v5;
	v20 =	vmul.f32 v20, v20;
	v26 =	vld [tilespmem:s8+$0xFFFFFFA0];
	[tilespmem:s8+$0x50] =	vst v18  }
0xec: {  	v30 =	vsub.f32 v32, v6;
	v21 =	vmul.f32 v21, v21;
	v27 =	vsub.f32 v27, v6;
	v31 =	vld [tilespmem:s10+$0x60]  }
0xed: {  	v20 =	vadd.f32 v20, v23;
	v23 =	vsub.f32 v24, v7;
	v24 =	vmul.f32 v29, v29;
	v29 =	vld [tilespmem:s6+$0x60]  }
0xee: {  	vm7 =	vgt.f32 v18, v14;
	v30 =	vmul.f32 v30, v30;
	v32 =	vld [tilespmem:s8+$0xFFFFFFE0];
	v27 =	vmul.f32 v27, v27  }
0xef: {  	v12 =	vsel vm7, v28, v12;
	v17 =	vadd.f32 v17, v20;
	v20 =	vmul.f32 v23, v23;
	v23 =	vld [tilespmem:s7+$0x60]  }
0xf0: {  	s14 =	sadd.s32 $0xFFFFFF70, s16;
	v14 =	vsel vm7, v18, v14;
	v19 =	vadd.f32 v30, v19;
	v24 =	vadd.f32 v27, v24  }
0xf1: {  	v18 =	vadd.s32 s14, v0;
	v17 =	vmin.f32 v26, v17;
	v26 =	vsub.f32 v31, v5  }
0xf2: {  	v19 =	vadd.f32 v21, v19;
	[tilespmem:s8+$0xFFFFFFA0] =	vst v17;
	vm7 =	vgt.f32 v17, v16;
	v20 =	vadd.f32 v20, v24;
	v21 =	vld [tilespmem:s8+$0x60]  }
0xf3: {  	v24 =	vsub.f32 v29, v6;
	v16 =	vsel vm7, v17, v16;
	v17 =	vld [tilespmem:s10+$0xFFFFFFB0];
	v26 =	vmul.f32 v26, v26  }
0xf4: {  	s14 =	sadd.s32 $0xFFFFFF30, s16;
	v19 =	vmin.f32 v32, v19;
	v27 =	vld [tilespmem:s6+$0xFFFFFFB0];
	v20 =	vmin.f32 v22, v20;
	v22 =	vsub.f32 v23, v7  }
0xf5: {  	v23 =	vadd.s32 s14, v0;
	vm8 =	vgt.f32 v19, v16;
	v24 =	vmul.f32 v24, v24;
	v28 =	vld [tilespmem:s7+$0xFFFFFFB0];
	[tilespmem:s8+$0xFFFFFFE0] =	vst v19  }
0xf6: {  	v15 =	vsel vm7, v23, v15;
	v16 =	vsel vm8, v19, v16;
	v23 =	vld [tilespmem:s7+$0xFFFFFFF0];
	[tilespmem:s8+$0x20] =	vst v20;
	v19 =	vmul.f32 v22, v22  }
0xf7: {  	v15 =	vsel vm8, v18, v15;
	vm7 =	vgt.f32 v20, v16;
	v18 =	vadd.f32 v24, v26;
	v29 =	vld [tilespmem:s6+$0xFFFFFFF0]  }
0xf8: {  	s14 =	sadd.s32 $0xFFFFFFC0, s16;
	v15 =	vsel vm7, v25, v15;
	v16 =	vsel vm7, v20, v16;
	v22 =	vsub.f32 v17, v5;
	v24 =	vld [tilespmem:s10+$0xFFFFFFF0]  }
0xf9: {  	s11 =	sadd.s32 $0xFFFFFF80, s16;
	s15 =	sadd.s32 $0xFFFFFF40, s16;
	v17 =	vadd.s32 s14, v0;
	v25 =	vadd.f32 v19, v18;
	v20 =	vsub.f32 v27, v6;
	v26 =	vld [tilespmem:s10+$0x30]  }
0xfa: {  	v19 =	vadd.s32 s15, v0;
	v18 =	vadd.s32 s11, v0;
	v27 =	vmul.f32 v22, v22;
	v32 =	vld [tilespmem:s6+$0x30]  }
0xfb: {  	s11 =	sadd.s32 $0xFFFFFFF0, s16;
	v28 =	vsub.f32 v28, v7;
	v30 =	vmul.f32 v20, v20;
	v33 =	vld [tilespmem:s7+$0x30];
	v20 =	vmin.f32 v21, v25  }
.Ltmp5:
0xfc: {  	v21 =	vadd.s32 s11, v0;
	v22 =	vld [tilespmem:s8+$0xFFFFFFB0];
	v29 =	vsub.f32 v29, v6;
	[tilespmem:s8+$0x60] =	vst v20;
	vm7 =	vgt.f32 v20, v16;
	(pc) =	sbr.rel @p1 .LBB2_5-.Ltmp5, $4  }
0xfd: {  	v28 =	vmul.f32 v28, v28;
	v27 =	vadd.f32 v30, v27;
	v31 =	vsub.f32 v24, v5;
	v25 =	vld [tilespmem:s7+$0x70]  }
0xfe: {  	v23 =	vsub.f32 v23, v7;
	v30 =	vmul.f32 v29, v29;
	v29 =	vsub.f32 v26, v5;
	v24 =	vld [tilespmem:s10+$0x70]  }
0xff: {  	v26 =	vadd.f32 v28, v27;
	v31 =	vmul.f32 v31, v31;
	v32 =	vsub.f32 v32, v6;
	v27 =	vld [tilespmem:s6+$0x70]  }
0x100: {  	s8 =	sadd.s32 $0x100, s8;
	s7 =	sadd.s32 $0x100, s7;
	v28 =	vmul.f32 v23, v23;
	s6 =	sadd.s32 $0x100, s6;
	v23 =	vld [tilespmem:s1+$0xFFFFFFF0];
	v33 =	vsub.f32 v33, v7;
	v29 =	vmul.f32 v29, v29  }
0x101: {  	_ =	sdelay $0x1  }
0x102: {  	v30 =	vadd.f32 v30, v31;
	v55 =	vmul.f32 v32, v32;
	v7 =	vsub.f32 v25, v7  }
0x103: {  	v22 =	vmin.f32 v22, v26;
	v5 =	vsub.f32 v24, v5;
	v6 =	vsub.f32 v27, v6  }
0x104: {  	v57 =	vld [tilespmem:s1+$0x30];
	v56 =	vmul.f32 v33, v33;
	vm8 =	vgt.f32 v22, v9;
	v58 =	vadd.f32 v28, v30  }
0x105: {  	v59 =	vadd.f32 v55, v29;
	v5 =	vmul.f32 v5, v5;
	v6 =	vmul.f32 v6, v6  }
0x106: {  	v60 =	vld [tilespmem:s1+$0x70];
	v9 =	vsel vm8, v22, v9;
	v7 =	vmul.f32 v7, v7  }
0x107: {  	v23 =	vmin.f32 v23, v58;
	v25 =	vadd.f32 v56, v59;
	v5 =	vadd.f32 v6, v5  }
0x108: {  	vm9 =	vgt.f32 v23, v9  }
0x109: {  	v6 =	vsel vm9, v23, v9;
	v9 =	vmin.f32 v57, v25;
	v5 =	vadd.f32 v7, v5  }
0x10a: {  	vm10 =	vgt.f32 v9, v6  }
0x10b: {  	v6 =	vsel vm10, v9, v6;
	v5 =	vmin.f32 v60, v5  }
0x10c: {  	vm11 =	vgt.f32 v5, v6  }
0x10d: {  	v61 =	vmax.f32 v11, v14;
	v7 =	vsel vm7, v20, v16;
	v6 =	vsel vm11, v5, v6  }
0x10e: {  	v15 =	vsel vm7, v21, v15;
	v8 =	vsel vm8, v19, v8;
	v62 =	vmax.f32 v7, v6  }
0x10f: {  	v8 =	vsel vm9, v18, v8;
	vm7 =	veq.f32 v11, v61;
	v63 =	vmax.f32 v61, v62  }
0x110: {  	v8 =	vsel vm10, v17, v8;
	v10 =	vnsel vm7, $0x40000000, v10;
	vm7 =	veq.f32 v14, v61;
	(xrf0) =	vmax.scan.msk.f32 $0xffff, v63  }
0x111: {  	v11 =	vnsel vm7, $0x40000000, v12;
	v8 =	vsel vm11, v13, v8;
	vm7 =	veq.f32 v7, v62  }
0x112: {  	vm8 =	veq.f32 v6, v62;
	v6 =	vnsel vm7, $0x40000000, v15;
	vm7 =	vlt.s32 v10, v11  }
0x113: {  	v7 =	vnsel vm8, $0x40000000, v8;
	v8 =	vsel vm7, v10, v11  }
0x114: {  	vm7 =	vlt.s32 v6, v7  }
0x115: {  	vm8 =	veq.f32 v62, v63;
	v6 =	vsel vm7, v6, v7;
	vm7 =	veq.f32 v61, v63  }
0x116: {  	v7 =	vnsel vm7, $0x40000000, v8;
	v6 =	vnsel vm8, $0x40000000, v6;
	v8, _, _ =	vpop (xrf0)  }
0x117: {  	vm7 =	vlt.s32 v7, v6;
	v8 =	vbroadcast v8, $0xF  }
0x118: {  	v6 =	vsel vm7, v7, v6  }
0x119: {  	v6 =	vxor.u32 $0x80000000, v6;
	vm7 =	veq.f32 v63, v8  }
0x11a: {  	v6 =	vnsel vm7, $0xC0000000, v6  }
0x11b: {  	(xrf0) =	vmin.scan.msk.u32 $0xffff, v6;
	_ =	sdelay $0x5  }
0x11c: {  	v6, _, _ =	vpop (xrf0)  }
0x11d: {  	(v2sf) =	vpush v6, $0xF;
	_ =	sdelay $0xe  }
0x11e: {  	s2 =	spop (v2sf)  }
0x11f: {  	s2 =	sxor.u32 $0x80000000, s2  }
0x120: {  	s6 =	ssub.s32 s2, s5  }
0x121: {  	v6 =	vmov s6  }
0x122: {  	[tilespmem:s1+$0xFFFFFFB0] =	vst v22  }
0x123: {  	[tilespmem:s1+$0xFFFFFFF0] =	vst v23  }
0x124: {  	[tilespmem:s1+$0x30] =	vst v9  }
0x125: {  	[tilespmem:s1+$0x70] =	vst v5  }
0x126: {  	v5 =	vld.idx.msk [tilespmem:v6+s4+$0x0], $0xffff  }
0x127: {  	v9 =	vmov s2;
	v7 =	vld.idx.msk [tilespmem:v6+s20+$0x0], $0xffff  }
0x128: {  	v9 =	vbroadcast v9, $0x0;
	v6 =	vld.idx.msk [tilespmem:v6+s21+$0x0], $0xffff  }
0x129: {  	v8 =	vnsel vm0, $0x0, v8  }
0x12a: {  	v8 =	vsel vm3, v8, v9  }
0x12b: {  	s11 =	sshll.u32 s22, $0x8;
	v5 =	vsel vm4, v8, v5  }
0x12c: {  	s1 =	sand.u32 $0x100, s11;
	v5 =	vsel vm5, v5, v7  }
0x12d: {  	s1 =	sadd.s32 s1, s3;
	v5 =	vsel vm6, v5, v6  }
0x12e: {  	s14 =	sadd.s32 s23, s1;
	[tilespmem:$0x3080] =	vst v5  }
0x12f: {  	[spmem:s14] =	stream.linear.scatter [tilespmem:s26], [sflag:$0x2], $0x10, $0x38;
	[tilespmem:$0x5220] =	vst v63  }
0x130: {  	_ =	swait.ge [sflag:s19], $0x10  }
0x131: {  	v5 =	vand.u32 $0x7, v0;
	[sflag:s19] =	ssyncset.done $0x0  }
0x132: {  	v5 =	vmul.u32 $0x10, v5;
	[sflag:s19] =	ssyncadd.s32 $0xFFFFFFF0  }
0x133: {  	s1 =	sadd.s32 s25, s1;
	[bflag:$0x0] =	sbarrier.arrive $0xFFFF  }
0x134: {  	[tilespmem:s28], [sflag:$0x2] =	stream.linear.gather [spmem:s1], $0x80, $0x38;
	[tilespmem:$0x5220] =	vst v63  }
0x135: {  	_ =	swait.ge [sflag:s19], $0x80  }
0x136: {  	[sflag:s19] =	ssyncset.done $0x0  }
0x137: {  	[sflag:s19] =	ssyncadd.s32 $0xFFFFFF80  }
0x138: {  	v6 =	vld.idx.msk [tilespmem:v5+s28+$0x0], $0xffff;
	_ =	sdelay $0x4  }
0x139: {  	v7 =	vor.u32 $0x1, v5;
	(xrf0) =	vmax.scan.msk.f32 $0xffff, v6;
	_ =	sdelay $0x4  }
0x13a: {  	v7 =	vld.idx.msk [tilespmem:v7+s28+$0x0], $0xffff  }
0x13b: {  	v8, _, _ =	vpop (xrf0)  }
0x13c: {  	v8 =	vbroadcast v8, $0xF;
	_ =	sdelay $0x1  }
0x13d: {  	vm7 =	veq.f32 v6, v8  }
0x13e: {  	v6 =	vnsel vm7, $0x40000000, v7  }
0x13f: {  	v7 =	vxor.u32 $0x80000000, v6  }
0x140: {  	(xrf0) =	vmin.scan.msk.u32 $0xffff, v7;
	_ =	sdelay $0x5  }
0x141: {  	v7, _, _ =	vpop (xrf0)  }
0x142: {  	(v2sf) =	vpush v7, $0xF;
	_ =	sdelay $0x7  }
0x143: {  	v7 =	vor.u32 $0x2, v5  }
0x144: {  	v8 =	vor.u32 $0x3, v5  }
0x145: {  	v5 =	vor.u32 $0x4, v5;
	_ =	sdelay $0x2  }
0x146: {  	v7 =	vld.idx.msk [tilespmem:v7+s28+$0x0], $0xffff  }
0x147: {  	v8 =	vld.idx.msk [tilespmem:v8+s28+$0x0], $0xffff  }
0x148: {  	v5 =	vld.idx.msk [tilespmem:v5+s28+$0x0], $0xffff;
	s15 =	spop (v2sf)  }
0x149: {  	s16 =	sxor.u32 $0x80000000, s15  }
0x14a: {  	vm7 =	veq.s32 v6, s16  }
0x14b: {  	v6 =	vnsel vm7, $0xBF800000, v7  }
0x14c: {  	(xrf0) =	vmax.scan.msk.f32 $0xffff, v6;
	v6 =	vnsel vm7, $0xBF800000, v8  }
0x14d: {  	v5 =	vnsel vm7, $0xBF800000, v5;
	(xrf0) =	vmax.scan.msk.f32 $0xffff, v6  }
0x14e: {  	(xrf0) =	vmax.scan.msk.f32 $0xffff, v5;
	_ =	sdelay $0x3  }
0x14f: {  	v6, _, _ =	vpop (xrf0)  }
0x150: {  	v7, _, _ =	vpop (xrf0);
	(v2sf) =	vpush v6, $0xF  }
0x151: {  	(v2sf) =	vpush v7, $0xF;
	v8, _, _ =	vpop (xrf0)  }
0x152: {  	(v2sf) =	vpush v8, $0xF;
	_ =	sdelay $0x9  }
0x153: {  	v5 =	vmov s22  }
.Ltmp6:
0x154: {  	_ = 	snop;
	(pc) =	sbr.rel @!p0 .LBB2_7-.Ltmp6, $4  }
0x155: {  	_ = 	snop  }
0x156: {  	s1 =	spop (v2sf)  }
0x157: {  	v9 =	vmov s16;
	s7 =	spop (v2sf)  }
0x158: {  	[tilespmem:v5+s24+$0x0] =	vst.idx.msk $0x1, v9;
	s8 =	spop (v2sf)  }
0x159: {  	s22 =	sadd.s32 $0x1, s22  }
0x15a: {  	p1 =	seq.s32 s22, $0x200  }
.Ltmp7:
0x15b: {  	_ = 	snop;
	(pc) =	sbr.rel @!p1 .LBB2_4-.Ltmp7, $4  }
.Ltmp8:
0x15c: {  	_ = 	snop;
	(pc) =	sbr.rel @p1 .LBB2_9-.Ltmp8, $4  }
0x15d: {  	_ = 	snop  }
0x15e: {  	_ = 	snop  }
0x15f: {  	_ = 	snop  }
0x160: {  	_ = 	snop  }
.LBB2_10:
0x161: {  	_ =	sfence.sel $0x180000  }
0x162: {  	[bflag:$0x0] =	sbarrier.arrive $0xFFFF  }
0x163: {  	_ =	strace $0x90000047  }
0x164: {  	s0 =	stileid.u32;
	[bflag:$0x2] =	sbarrier.arrive $0xFFFF  }
0x165: {  	p0 =	sne.s32 s0, $0x0;
	s0 =	rddreg [dreg:$0xa]  }
0x166: {  	s0 =	sadd.s32 @!p0 $0x100000, s0  }
0x167: {  	[sflag:s0] =	ssyncadd.tile.s32 @!p0 $0x1;
	_ =	shalt  }
.Lfunc_end2:
_tile_overlayer_lowered:
.L_overlay_start_2:
0x168: {  	(tag) =	ssettag $0x2  }
0x169: {  	s0 =	rddreg [dreg:$0x0];
	s2 =	stileid.u32  }
0x16a: {  	s1 =	rddreg [dreg:$0x1];
	p0 =	sne.s32 s2, $0x0  }
0x16b: {  	s3 =	rddreg [dreg:$0x2];
	[bflag:$0x3] =	sbarrier.arrive $0xFFFF;
	s2 =	simm.s32 @!p0 $0x1C02  }
0x16c: {  	[timem:s3], [sflag:s2] =	dma.local @!p0 [hbm:s0], s1  }
0x16d: {  	s0 =	simm.s32 @!p0 $0x2  }
0x16e: {  	_ =	swait.ge @!p0 [sflag:s0], s1  }
0x16f: {  	s1 =	ssub.s32 @!p0 $0x0, s1;
	[sflag:s0] =	ssyncset.done @!p0 $0x0  }
0x170: {  	[sflag:s0] =	ssyncadd.s32 @!p0 s1  }
0x171: {  	[bflag:$0x3] =	sbarrier.arrive $0xFFFF  }
0x172: {  	_ =	shalt  }

</sc_bundles>
